<compile_context>
chip_gen: v7x
topology: tpu7x:2x2x1
jax: 0.10.2.dev20260603
libtpu: 0.0.44.dev20260713+nightly
codegen_flags: <defaults>
</compile_context>

<pallas_src>
import functools
import math

import jax
import jax.numpy as jnp
from jax.experimental import pallas as pl
from jax.experimental.pallas import tpu as pltpu
from jax.experimental.pallas import tpu_sc as plsc

NN = 10000
BG = 100
WIN = 256
HD = 128
KTOP = 16
NE = 320000
NPAD = 10496
NT = NPAD // WIN
NWORK = 32
ECHUNK = 128
NCH = 79
STRIPE = NPAD // 16



def _enc_body(x_ref, w_ref, b_ref, o_ref):
    o_ref[...] = jnp.dot(x_ref[...], w_ref[...],
                         preferred_element_type=jnp.float32) + b_ref[...]


def _ffn_body(h_ref, w1_ref, b1_ref, w2_ref, b2_ref, o_ref, st_ref):
    t = pl.program_id(0)
    h = h_ref[...]
    ff = jnp.maximum(jnp.dot(h, w1_ref[...], preferred_element_type=jnp.float32)
                     + b1_ref[...], 0.0)
    o = h + (jnp.dot(ff, w2_ref[...], preferred_element_type=jnp.float32)
             + b2_ref[...])
    o_ref[...] = o
    rows = t * WIN + jax.lax.broadcasted_iota(jnp.int32, (WIN, 1), 0)
    om = jnp.where(rows < NN, o, 0.0)
    s1 = jnp.sum(om, axis=0)
    s2 = jnp.sum(om * om, axis=0)
    blk = jnp.concatenate([s1[None, :], s2[None, :],
                           jnp.zeros((6, HD), jnp.float32)], axis=0)

    @pl.when(t == 0)
    def _():
        st_ref[...] = blk

    @pl.when(t > 0)
    def _():
        st_ref[...] = st_ref[...] + blk


def _bn_body(h_ref, st_ref, sc_ref, bi_ref, o_ref):
    mu = st_ref[0, :] / float(NN)
    var = st_ref[1, :] / float(NN) - mu * mu
    inv = jax.lax.rsqrt(var + 1e-5)
    o_ref[...] = sc_ref[...] * (h_ref[...] - mu) * inv + bi_ref[...]


def _attn_body(offs_ref, cnts_ref, h_ref, wq_ref, wk_ref, o_ref):
    b = pl.program_id(0)
    off = offs_ref[b]
    cnt = cnts_ref[b]
    win = h_ref[pl.ds(off, WIN), :]
    rows = jax.lax.broadcasted_iota(jnp.int32, (WIN, 1), 0)
    winz = jnp.where(rows < cnt, win, 0.0)
    q0 = jnp.dot(winz, wq_ref[0], preferred_element_type=jnp.float32)
    k0 = jnp.dot(winz, wk_ref[0], preferred_element_type=jnp.float32)
    q1 = jnp.dot(winz, wq_ref[1], preferred_element_type=jnp.float32)
    k1 = jnp.dot(winz, wk_ref[1], preferred_element_type=jnp.float32)
    dn = (([1], [1]), ((), ()))
    sq = jnp.float32(math.sqrt(float(HD)))
    s0 = jax.lax.dot_general(q0, k0, dn, preferred_element_type=jnp.float32)
    s1 = jax.lax.dot_general(q1, k1, dn, preferred_element_type=jnp.float32)
    s = (s0 / sq + s1 / sq) * 0.5
    cols = jax.lax.broadcasted_iota(jnp.int32, (WIN, WIN), 1)
    sm = jnp.where(cols < cnt, s, -1e9)

    def body(_, sw):
        m = jnp.max(sw, axis=1, keepdims=True)
        return jnp.where(sw == m, -jnp.inf, sw)

    sw = jax.lax.fori_loop(0, KTOP - 1, body, sm)
    thr = jnp.max(sw, axis=1, keepdims=True)
    wmat = (sm >= thr).astype(jnp.float32)
    o_ref[0] = jnp.dot(wmat, winz, preferred_element_type=jnp.float32,
                       precision=jax.lax.Precision.HIGHEST)


def _gin_body(offs_ref, cnts_ref, h_ref, p_ref, eps_ref, agg_ref, w1_ref,
              b1_ref, w2_ref, b2_ref, o_ref, pool_ref, *, with_pool):
    b = pl.program_id(0)
    off = offs_ref[b]
    cnt = cnts_ref[b]

    @pl.when(b == 0)
    def _():
        o_ref[...] = jnp.zeros((NPAD, HD), jnp.float32)

    hw_in = h_ref[pl.ds(off, WIN), :]
    g = (((1.0 + eps_ref[0, 0]) * hw_in + agg_ref[0])
         + (p_ref[0, pl.ds(off, WIN), :] + p_ref[1, pl.ds(off, WIN), :]))
    hh = jnp.maximum(jnp.dot(g, w1_ref[...], preferred_element_type=jnp.float32)
                     + b1_ref[...], 0.0)
    hw = jnp.maximum(jnp.dot(hh, w2_ref[...], preferred_element_type=jnp.float32)
                     + b2_ref[...], 0.0)
    o_ref[pl.ds(off, WIN), :] = hw
    if with_pool:
        rows = jax.lax.broadcasted_iota(jnp.int32, (WIN, 1), 0)
        hm = jnp.where(rows < cnt, hw, 0.0)
        srow = jnp.sum(hm, axis=0) / jnp.maximum(cnt, 1).astype(jnp.float32)
        pool_ref[0] = jnp.broadcast_to(srow[None, :], (8, HD))


def _head_body(p_ref, w1_ref, b1_ref, w2_ref, b2_ref, o_ref):
    p = p_ref[:, 0, :]
    hh = jnp.maximum(jnp.dot(p, w1_ref[...], preferred_element_type=jnp.float32)
                     + b1_ref[...], 0.0)
    o_ref[...] = jnp.dot(hh, w2_ref[...], preferred_element_type=jnp.float32) + b2_ref[...]



def _seg_sc(h_hbm, src_hbm, dst_hbm, zero_hbm, out_hbm, idx_s, idx_d, rows,
            acc, sem):
    c = jax.lax.axis_index("c")
    s = jax.lax.axis_index("s")
    wid = c * 16 + s
    pltpu.sync_copy(src_hbm.at[wid], idx_s)
    pltpu.sync_copy(dst_hbm.at[wid], idx_d)
    r0 = s * STRIPE
    pltpu.sync_copy(zero_hbm.at[pl.ds(r0, STRIPE)], acc.at[pl.ds(r0, STRIPE)])
    plsc.subcore_barrier()

    def chunk(j, carry):
        pltpu.async_copy(h_hbm.at[idx_s.at[j]], rows, sem).wait()
        pltpu.sync_copy(rows, acc.at[idx_d.at[j]], add=True)
        return carry

    jax.lax.fori_loop(0, NCH, chunk, 0)
    plsc.subcore_barrier()
    pltpu.sync_copy(acc.at[pl.ds(r0, STRIPE)], out_hbm.at[c, pl.ds(r0, STRIPE)])


_seg_kernel = functools.partial(
    pl.kernel,
    out_type=jax.ShapeDtypeStruct((2, NPAD, HD), jnp.float32),
    mesh=plsc.VectorSubcoreMesh(core_axis_name="c", subcore_axis_name="s"),
    scratch_types=[
        pltpu.VMEM((NCH, ECHUNK), jnp.int32),
        pltpu.VMEM((NCH, ECHUNK), jnp.int32),
        pltpu.VMEM((ECHUNK, HD), jnp.float32),
        pltpu.VMEM_SHARED((NPAD, HD), jnp.float32),
        pltpu.SemaphoreType.DMA,
    ],
)(_seg_sc)



def _tile_spec(i=None):
    return pl.BlockSpec((WIN, HD), lambda t: (t, 0))


def _full(shape):
    return pl.BlockSpec(shape, lambda t: tuple(0 for _ in shape))


def _enc(x, w, b):
    return pl.pallas_call(
        _enc_body,
        grid=(NT,),
        in_specs=[_tile_spec(), _full((HD, HD)), _full((1, HD))],
        out_specs=_tile_spec(),
        out_shape=jax.ShapeDtypeStruct((NPAD, HD), jnp.float32),
    )(x, w, b)


def _ffn(h, w1, b1, w2, b2):
    return pl.pallas_call(
        _ffn_body,
        grid=(NT,),
        in_specs=[_tile_spec(), _full((HD, 2 * HD)), _full((1, 2 * HD)),
                  _full((2 * HD, HD)), _full((1, HD))],
        out_specs=[_tile_spec(), _full((8, HD))],
        out_shape=[jax.ShapeDtypeStruct((NPAD, HD), jnp.float32),
                   jax.ShapeDtypeStruct((8, HD), jnp.float32)],
    )(h, w1, b1, w2, b2)


def _bn(h, st, sc, bi):
    return pl.pallas_call(
        _bn_body,
        grid=(NT,),
        in_specs=[_tile_spec(), _full((8, HD)), _full((1, HD)), _full((1, HD))],
        out_specs=_tile_spec(),
        out_shape=jax.ShapeDtypeStruct((NPAD, HD), jnp.float32),
    )(h, st, sc, bi)


def _attn(offs, cnts, h, wq, wk):
    return pl.pallas_call(
        _attn_body,
        grid_spec=pltpu.PrefetchScalarGridSpec(
            num_scalar_prefetch=2,
            grid=(BG,),
            in_specs=[pl.BlockSpec((NPAD, HD), lambda b, o, c: (0, 0)),
                      pl.BlockSpec((2, HD, HD), lambda b, o, c: (0, 0, 0)),
                      pl.BlockSpec((2, HD, HD), lambda b, o, c: (0, 0, 0))],
            out_specs=pl.BlockSpec((1, WIN, HD), lambda b, o, c: (b, 0, 0)),
        ),
        out_shape=jax.ShapeDtypeStruct((BG, WIN, HD), jnp.float32),
    )(offs, cnts, h, wq, wk)


def _gin(offs, cnts, h, parts, eps, agg, w1, b1, w2, b2, with_pool):
    body = functools.partial(_gin_body, with_pool=with_pool)
    out_specs = [pl.BlockSpec((NPAD, HD), lambda b, o, c: (0, 0)),
                 pl.BlockSpec((1, 8, HD), lambda b, o, c: (b, 0, 0))]
    out_shape = [jax.ShapeDtypeStruct((NPAD, HD), jnp.float32),
                 jax.ShapeDtypeStruct((BG, 8, HD), jnp.float32)]
    return pl.pallas_call(
        body,
        grid_spec=pltpu.PrefetchScalarGridSpec(
            num_scalar_prefetch=2,
            grid=(BG,),
            in_specs=[pl.BlockSpec((NPAD, HD), lambda b, o, c: (0, 0)),
                      pl.BlockSpec((2, NPAD, HD), lambda b, o, c: (0, 0, 0)),
                      pl.BlockSpec((1, 1), lambda b, o, c: (0, 0)),
                      pl.BlockSpec((1, WIN, HD), lambda b, o, c: (b, 0, 0)),
                      pl.BlockSpec((HD, HD), lambda b, o, c: (0, 0)),
                      pl.BlockSpec((1, HD), lambda b, o, c: (0, 0)),
                      pl.BlockSpec((HD, HD), lambda b, o, c: (0, 0)),
                      pl.BlockSpec((1, HD), lambda b, o, c: (0, 0))],
            out_specs=out_specs,
        ),
        out_shape=out_shape,
    )(offs, cnts, h, parts, eps, agg, w1, b1, w2, b2)


def _head(pool, w1, b1, w2, b2):
    return pl.pallas_call(
        _head_body,
        grid=(1,),
        in_specs=[_full((BG, 8, HD)), _full((HD, HD)), _full((1, HD)),
                  _full((HD, HD)), _full((1, HD))],
        out_specs=_full((BG, HD)),
        out_shape=jax.ShapeDtypeStruct((BG, HD), jnp.float32),
    )(pool, w1, b1, w2, b2)



def kernel(x, edge_index, batch, enc_W, enc_b, tf_W1, tf_b1, tf_W2, tf_b2,
           bn_scale, bn_bias, attn_Wq, attn_Wk, gin_eps, gin_W1, gin_b1,
           gin_W2, gin_b2, mlp_W1, mlp_b1, mlp_W2, mlp_b2):
    f32 = jnp.float32
    counts = jnp.bincount(batch, length=BG).astype(jnp.int32)
    offs = jnp.concatenate([jnp.zeros((1,), jnp.int32),
                            jnp.cumsum(counts)[:-1].astype(jnp.int32)])

    xp = jnp.zeros((NPAD, HD), f32).at[:NN].set(x)

    tot = NWORK * NCH * ECHUNK
    src = jnp.zeros((tot,), jnp.int32).at[:NE].set(edge_index[0])
    dst = jnp.full((tot,), NN, jnp.int32).at[:NE].set(edge_index[1])
    srcr = src.reshape(NWORK, NCH, ECHUNK)
    dstr = dst.reshape(NWORK, NCH, ECHUNK)
    zeros_rows = jnp.zeros((NPAD, HD), f32)

    h = _enc(xp, enc_W, enc_b.reshape(1, HD))
    for l in range(2):
        h1, st = _ffn(h, tf_W1[l], tf_b1[l].reshape(1, -1), tf_W2[l],
                      tf_b2[l].reshape(1, HD))
        h2 = _bn(h1, st, bn_scale[l].reshape(1, HD), bn_bias[l].reshape(1, HD))
        agg = _attn(offs, counts, h2, attn_Wq[l], attn_Wk[l])
        parts = _seg_kernel(h2, srcr, dstr, zeros_rows)
        h, pool = _gin(offs, counts, h2, parts, gin_eps[l].reshape(1, 1),
                       agg, gin_W1[l], gin_b1[l].reshape(1, HD), gin_W2[l],
                       gin_b2[l].reshape(1, HD), with_pool=(l == 1))

    w2p = jnp.zeros((HD, HD), f32).at[:, :mlp_W2.shape[1]].set(mlp_W2)
    b2p = jnp.zeros((1, HD), f32).at[0, :mlp_b2.shape[0]].set(mlp_b2)
    out = _head(pool, mlp_W1, mlp_b1.reshape(1, HD), w2p, b2p)
    return out[:, :mlp_W2.shape[1]]

# --- scband reference (transcript-rebuilt; emitter-appended) ---
"""Pipeline reference for scband-dynamic-rewire-trans-upstream-gnn-27702539059575 (READ-ONLY COPY).

The authoritative reference and input builder live on the scoring server;
editing this copy changes nothing except your own understanding.
"""

import jax, jax.numpy as jnp
import numpy as np

N = 10000; B = 100; NMAX = 256; D = 128; HID = 128; L = 2; ENS = 2; TOPK = 16; EDGES = 320000; NC = 10; ALPHA = 1.0


def setup_inputs(seed: int = 0) -> dict:
    key = jax.random.key(seed)
    ks = jax.random.split(key, 24)
    s = 0.02
    inp = {}
    inp['x'] = jax.random.normal(ks[0], (N, D), jnp.float32)
    inp['edge_index'] = jax.random.randint(ks[1], (2, EDGES), 0, N, dtype=jnp.int32)
    inp['batch'] = jnp.sort(jax.random.randint(ks[2], (N,), 0, B, dtype=jnp.int32))
    inp['enc_W'] = jax.random.normal(ks[3], (D, HID), jnp.float32) * s
    inp['enc_b'] = jnp.zeros((HID,), jnp.float32)
    inp['tf_W1'] = jax.random.normal(ks[4], (L, HID, 2 * HID), jnp.float32) * s
    inp['tf_b1'] = jnp.zeros((L, 2 * HID), jnp.float32)
    inp['tf_W2'] = jax.random.normal(ks[5], (L, 2 * HID, HID), jnp.float32) * s
    inp['tf_b2'] = jnp.zeros((L, HID), jnp.float32)
    inp['bn_scale'] = jnp.ones((L, HID), jnp.float32)
    inp['bn_bias'] = jnp.zeros((L, HID), jnp.float32)
    inp['attn_Wq'] = jax.random.normal(ks[6], (L, ENS, HID, HID), jnp.float32) * s
    inp['attn_Wk'] = jax.random.normal(ks[7], (L, ENS, HID, HID), jnp.float32) * s
    inp['gin_eps'] = jnp.zeros((L,), jnp.float32)
    inp['gin_W1'] = jax.random.normal(ks[8], (L, HID, HID), jnp.float32) * s
    inp['gin_b1'] = jnp.zeros((L, HID), jnp.float32)
    inp['gin_W2'] = jax.random.normal(ks[9], (L, HID, HID), jnp.float32) * s
    inp['gin_b2'] = jnp.zeros((L, HID), jnp.float32)
    inp['mlp_W1'] = jax.random.normal(ks[10], (HID, HID), jnp.float32) * s
    inp['mlp_b1'] = jnp.zeros((HID,), jnp.float32)
    inp['mlp_W2'] = jax.random.normal(ks[11], (HID, NC), jnp.float32) * s
    inp['mlp_b2'] = jnp.zeros((NC,), jnp.float32)
    return inp


def reference(x, edge_index, batch, enc_W, enc_b, tf_W1, tf_b1, tf_W2, tf_b2, bn_scale, bn_bias, attn_Wq, attn_Wk, gin_eps, gin_W1, gin_b1, gin_W2, gin_b2, mlp_W1, mlp_b1, mlp_W2, mlp_b2):
    # atom encoder
    h = x @ enc_W + enc_b
    # to_dense_batch bookkeeping (batch is sorted)
    counts = jnp.bincount(batch, length=B)
    offsets = jnp.concatenate([jnp.zeros((1,), counts.dtype), jnp.cumsum(counts)[:-1]])
    pos = jnp.arange(N) - offsets[batch]
    mask = jnp.zeros((B, NMAX), dtype=bool).at[batch, pos].set(True)
    nn_mask = mask[:, :, None] & mask[:, None, :]  # real_node_node_mask
    src = edge_index[0]
    dst = edge_index[1]
    for l in range(L):
        # TransformerLayer with use_attn=False: FFN residual + batch norm
        ff = jax.nn.relu(h @ tf_W1[l] + tf_b1[l]) @ tf_W2[l] + tf_b2[l]
        h = h + ff
        mu = h.mean(axis=0)
        var = h.var(axis=0)
        h = bn_scale[l] * (h - mu) / jnp.sqrt(var + 1e-5) + bn_bias[l]
        # AttentionLayer: ensemble bilinear attention scores over dense batch
        dense = jnp.zeros((B, NMAX, HID), h.dtype).at[batch, pos].set(h)
        q = jnp.einsum('bnd,edh->benh', dense, attn_Wq[l])
        k = jnp.einsum('bnd,edh->benh', dense, attn_Wk[l])
        score = jnp.einsum('benh,bemh->benm', q, k) / jnp.sqrt(float(HID))
        score = score.mean(axis=1)
        score = jnp.where(nn_mask, score, -1e9)
        # sampler: per-node top-k rewiring, sample_ratio = alpha**(L-(l+1))
        ratio = ALPHA ** (L - (l + 1))
        ktop = max(1, int(round(TOPK * ratio)))
        idx = jax.lax.top_k(score, ktop)[1]  # [B, NMAX, ktop]
        nb = dense[jnp.arange(B)[:, None, None], idx]  # [B, NMAX, ktop, HID]
        agg_sampled = nb.sum(axis=2)[batch, pos]  # back to flat [N, HID]
        # intermediate GNN (GIN-style) over original edges + sampled edges
        agg_edge = jax.ops.segment_sum(h[src], dst, num_segments=N)
        g = (1.0 + gin_eps[l]) * h + agg_sampled + agg_edge
        h = jax.nn.relu(jax.nn.relu(g @ gin_W1[l] + gin_b1[l]) @ gin_W2[l] + gin_b2[l])
    # global mean pool
    sums = jax.ops.segment_sum(h, batch, num_segments=B)
    pooled = sums / jnp.maximum(counts, 1).astype(h.dtype)[:, None]
    # MLP head
    out = jax.nn.relu(pooled @ mlp_W1 + mlp_b1) @ mlp_W2 + mlp_b2
    return out

if __name__ == "__main__":
    import jax
    _d = setup_inputs()
    print(jax.jit(kernel)(*tuple(_d.values())))

</pallas_src>

<mosaic_0001>
#map = affine_map<(d0, d1) -> (0, 0)>
#map1 = affine_map<(d0, d1) -> (0, 0, 0)>
module attributes {stable_mosaic.version = 14 : i64} {
  func.func @_seg_sc(%arg0: i32, %arg1: i32, %arg2: memref<10496x128xf32, #tpu.memory_space<hbm>>, %arg3: memref<32x79x128xi32, #tpu.memory_space<hbm>>, %arg4: memref<32x79x128xi32, #tpu.memory_space<hbm>>, %arg5: memref<10496x128xf32, #tpu.memory_space<hbm>>, %arg6: memref<2x10496x128xf32, #tpu.memory_space<hbm>>, %arg7: memref<79x128xi32, #tpu.memory_space<vmem>>, %arg8: memref<79x128xi32, #tpu.memory_space<vmem>>, %arg9: memref<128x128xf32, #tpu.memory_space<vmem>>, %arg10: memref<10496x128xf32, #tpu.memory_space<vmem_shared>>, %arg11: memref<!tpu.dma_semaphore, #tpu.memory_space<semaphore_mem>>) attributes {dimension_semantics = [#tpu.dimension_semantics<core_parallel>, #tpu.dimension_semantics<subcore_parallel>], iteration_bounds = array<i64: 2, 16>, scalar_prefetch = 0 : i64, scratch_operands = 5 : i64, tpu.core_type = #tpu.core_type<sc_vector_subcore>, window_params = [{transform_indices = #map}, {transform_indices = #map1}, {transform_indices = #map1}, {transform_indices = #map}, {transform_indices = #map1}]} {
    %mul3A = arith.constant 16 : i32
    %mul3A_0 = arith.muli %arg0, %mul3A : i32
    %add3A = arith.addi %mul3A_0, %arg1 : i32
    "tpu.region"() ({
      %run_scoped3A = tpu.sem_alloc : memref<!tpu.dma_semaphore, #tpu.memory_space<semaphore_mem>>
      %dma_start3A = arith.constant 0 : i32
      %dma_start3A_9 = arith.constant 0 : i32
      %dma_start3A_10 = tpu.memref_slice %arg3[%add3A, %dma_start3A, %dma_start3A_9] : memref<32x79x128xi32, #tpu.memory_space<hbm>> -> memref<1x79x128xi32, #tpu.memory_space<hbm>>
      %dma_start3A_11 = tpu.memref_squeeze %dma_start3A_10 : memref<1x79x128xi32, #tpu.memory_space<hbm>> -> memref<79x128xi32, #tpu.memory_space<hbm>>
      %dma_start3A_12 = arith.constant 0 : i32
      %dma_start3A_13 = arith.constant 0 : i32
      %dma_start3A_14 = tpu.memref_slice %arg3[%add3A, %dma_start3A_12, %dma_start3A_13] : memref<32x79x128xi32, #tpu.memory_space<hbm>> -> memref<1x79x128xi32, #tpu.memory_space<hbm>>
      %dma_start3A_15 = tpu.memref_squeeze %dma_start3A_14 : memref<1x79x128xi32, #tpu.memory_space<hbm>> -> memref<79x128xi32, #tpu.memory_space<hbm>>
      tpu.enqueue_dma source(%dma_start3A_15 : memref<79x128xi32, #tpu.memory_space<hbm>>) target(%arg7 : memref<79x128xi32, #tpu.memory_space<vmem>>) target_semaphore(%run_scoped3A : memref<!tpu.dma_semaphore, #tpu.memory_space<semaphore_mem>>)
      %dma_wait3A = arith.constant 0 : i32
      %dma_wait3A_16 = arith.constant 0 : i32
      %dma_wait3A_17 = tpu.memref_slice %arg3[%add3A, %dma_wait3A, %dma_wait3A_16] : memref<32x79x128xi32, #tpu.memory_space<hbm>> -> memref<1x79x128xi32, #tpu.memory_space<hbm>>
      %dma_wait3A_18 = tpu.memref_squeeze %dma_wait3A_17 : memref<1x79x128xi32, #tpu.memory_space<hbm>> -> memref<79x128xi32, #tpu.memory_space<hbm>>
      %dma_wait3A_19 = arith.constant 0 : i32
      %dma_wait3A_20 = arith.constant 0 : i32
      %dma_wait3A_21 = tpu.memref_slice %arg3[%add3A, %dma_wait3A_19, %dma_wait3A_20] : memref<32x79x128xi32, #tpu.memory_space<hbm>> -> memref<1x79x128xi32, #tpu.memory_space<hbm>>
      %dma_wait3A_22 = tpu.memref_squeeze %dma_wait3A_21 : memref<1x79x128xi32, #tpu.memory_space<hbm>> -> memref<79x128xi32, #tpu.memory_space<hbm>>
      tpu.wait_dma2 semaphore(%run_scoped3A : memref<!tpu.dma_semaphore, #tpu.memory_space<semaphore_mem>>) src(%dma_wait3A_22 : memref<79x128xi32, #tpu.memory_space<hbm>>) dst(%arg7 : memref<79x128xi32, #tpu.memory_space<vmem>>)
      tpu.yield
    }) : () -> ()
    "tpu.region"() ({
      %run_scoped3A = tpu.sem_alloc : memref<!tpu.dma_semaphore, #tpu.memory_space<semaphore_mem>>
      %dma_start3A = arith.constant 0 : i32
      %dma_start3A_9 = arith.constant 0 : i32
      %dma_start3A_10 = tpu.memref_slice %arg4[%add3A, %dma_start3A, %dma_start3A_9] : memref<32x79x128xi32, #tpu.memory_space<hbm>> -> memref<1x79x128xi32, #tpu.memory_space<hbm>>
      %dma_start3A_11 = tpu.memref_squeeze %dma_start3A_10 : memref<1x79x128xi32, #tpu.memory_space<hbm>> -> memref<79x128xi32, #tpu.memory_space<hbm>>
      %dma_start3A_12 = arith.constant 0 : i32
      %dma_start3A_13 = arith.constant 0 : i32
      %dma_start3A_14 = tpu.memref_slice %arg4[%add3A, %dma_start3A_12, %dma_start3A_13] : memref<32x79x128xi32, #tpu.memory_space<hbm>> -> memref<1x79x128xi32, #tpu.memory_space<hbm>>
      %dma_start3A_15 = tpu.memref_squeeze %dma_start3A_14 : memref<1x79x128xi32, #tpu.memory_space<hbm>> -> memref<79x128xi32, #tpu.memory_space<hbm>>
      tpu.enqueue_dma source(%dma_start3A_15 : memref<79x128xi32, #tpu.memory_space<hbm>>) target(%arg8 : memref<79x128xi32, #tpu.memory_space<vmem>>) target_semaphore(%run_scoped3A : memref<!tpu.dma_semaphore, #tpu.memory_space<semaphore_mem>>)
      %dma_wait3A = arith.constant 0 : i32
      %dma_wait3A_16 = arith.constant 0 : i32
      %dma_wait3A_17 = tpu.memref_slice %arg4[%add3A, %dma_wait3A, %dma_wait3A_16] : memref<32x79x128xi32, #tpu.memory_space<hbm>> -> memref<1x79x128xi32, #tpu.memory_space<hbm>>
      %dma_wait3A_18 = tpu.memref_squeeze %dma_wait3A_17 : memref<1x79x128xi32, #tpu.memory_space<hbm>> -> memref<79x128xi32, #tpu.memory_space<hbm>>
      %dma_wait3A_19 = arith.constant 0 : i32
      %dma_wait3A_20 = arith.constant 0 : i32
      %dma_wait3A_21 = tpu.memref_slice %arg4[%add3A, %dma_wait3A_19, %dma_wait3A_20] : memref<32x79x128xi32, #tpu.memory_space<hbm>> -> memref<1x79x128xi32, #tpu.memory_space<hbm>>
      %dma_wait3A_22 = tpu.memref_squeeze %dma_wait3A_21 : memref<1x79x128xi32, #tpu.memory_space<hbm>> -> memref<79x128xi32, #tpu.memory_space<hbm>>
      tpu.wait_dma2 semaphore(%run_scoped3A : memref<!tpu.dma_semaphore, #tpu.memory_space<semaphore_mem>>) src(%dma_wait3A_22 : memref<79x128xi32, #tpu.memory_space<hbm>>) dst(%arg8 : memref<79x128xi32, #tpu.memory_space<vmem>>)
      tpu.yield
    }) : () -> ()
    %mul3A_1 = arith.constant 656 : i32
    %mul3A_2 = arith.muli %arg1, %mul3A_1 : i32
    "tpu.region"() ({
      %run_scoped3A = tpu.sem_alloc : memref<!tpu.dma_semaphore, #tpu.memory_space<semaphore_mem>>
      %dma_start3A = arith.constant 0 : i32
      %dma_start3A_9 = tpu.memref_slice %arg10[%mul3A_2, %dma_start3A] : memref<10496x128xf32, #tpu.memory_space<vmem_shared>> -> memref<656x128xf32, #tpu.memory_space<vmem_shared>>
      %dma_start3A_10 = arith.constant 0 : i32
      %dma_start3A_11 = tpu.memref_slice %arg5[%mul3A_2, %dma_start3A_10] : memref<10496x128xf32, #tpu.memory_space<hbm>> -> memref<656x128xf32, #tpu.memory_space<hbm>>
      tpu.enqueue_dma source(%dma_start3A_11 : memref<656x128xf32, #tpu.memory_space<hbm>>) target(%dma_start3A_9 : memref<656x128xf32, #tpu.memory_space<vmem_shared>>) target_semaphore(%run_scoped3A : memref<!tpu.dma_semaphore, #tpu.memory_space<semaphore_mem>>)
      %dma_wait3A = arith.constant 0 : i32
      %dma_wait3A_12 = tpu.memref_slice %arg10[%mul3A_2, %dma_wait3A] : memref<10496x128xf32, #tpu.memory_space<vmem_shared>> -> memref<656x128xf32, #tpu.memory_space<vmem_shared>>
      %dma_wait3A_13 = arith.constant 0 : i32
      %dma_wait3A_14 = tpu.memref_slice %arg5[%mul3A_2, %dma_wait3A_13] : memref<10496x128xf32, #tpu.memory_space<hbm>> -> memref<656x128xf32, #tpu.memory_space<hbm>>
      tpu.wait_dma2 semaphore(%run_scoped3A : memref<!tpu.dma_semaphore, #tpu.memory_space<semaphore_mem>>) src(%dma_wait3A_14 : memref<656x128xf32, #tpu.memory_space<hbm>>) dst(%dma_wait3A_12 : memref<656x128xf32, #tpu.memory_space<vmem_shared>>)
      tpu.yield
    }) : () -> ()
    %barrier3A = arith.constant 0 : index
    tpu.barrier barrier_id(%barrier3A)
    %scan3A = arith.constant 0 : i32
    %scan3A_3 = arith.constant 0 : i32
    %scan3A_4 = arith.constant 79 : i32
    %scan3A_5 = arith.addi %scan3A_3, %scan3A_4 : i32
    %scan3A_6 = arith.constant 1 : i32
    scf.for %scan3A_9 = %scan3A_3 to %scan3A_5 step %scan3A_6  : i32 {
      %dma_start3A = arith.constant 0 : i32
      %dma_start3A_10 = tpu.memref_slice %arg7[%scan3A_9, %dma_start3A] : memref<79x128xi32, #tpu.memory_space<vmem>> -> memref<1x128xi32, #tpu.memory_space<vmem>>
      %dma_start3A_11 = tpu.memref_squeeze %dma_start3A_10 : memref<1x128xi32, #tpu.memory_space<vmem>> -> memref<128xi32, #tpu.memory_space<vmem>>
      %dma_start3A_12 = arith.constant 0 : i32
      %dma_start3A_13 = arith.constant 0 : i32
      %dma_start3A_14 = tpu.memref_slice %arg2[%dma_start3A_12, %dma_start3A_13] : memref<10496x128xf32, #tpu.memory_space<hbm>> -> memref<10496x128xf32, #tpu.memory_space<hbm>>
      tpu.enqueue_indirect_dma source(%dma_start3A_14 : memref<10496x128xf32, #tpu.memory_space<hbm>>) target(%arg9 : memref<128x128xf32, #tpu.memory_space<vmem>>) offsets(%dma_start3A_11 : memref<128xi32, #tpu.memory_space<vmem>>) semaphore(%arg11 : memref<!tpu.dma_semaphore, #tpu.memory_space<semaphore_mem>>)
      %dma_wait3A = arith.constant 0 : i32
      %dma_wait3A_15 = tpu.memref_slice %arg7[%scan3A_9, %dma_wait3A] : memref<79x128xi32, #tpu.memory_space<vmem>> -> memref<1x128xi32, #tpu.memory_space<vmem>>
      %dma_wait3A_16 = tpu.memref_squeeze %dma_wait3A_15 : memref<1x128xi32, #tpu.memory_space<vmem>> -> memref<128xi32, #tpu.memory_space<vmem>>
      %dma_wait3A_17 = arith.constant 0 : i32
      %dma_wait3A_18 = arith.constant 0 : i32
      %dma_wait3A_19 = tpu.memref_slice %arg2[%dma_wait3A_17, %dma_wait3A_18] : memref<10496x128xf32, #tpu.memory_space<hbm>> -> memref<10496x128xf32, #tpu.memory_space<hbm>>
      tpu.wait_indirect_dma semaphore(%arg11 : memref<!tpu.dma_semaphore, #tpu.memory_space<semaphore_mem>>) src(%dma_wait3A_19 : memref<10496x128xf32, #tpu.memory_space<hbm>>) dst(%arg9 : memref<128x128xf32, #tpu.memory_space<vmem>>)
      "tpu.region"() ({
        %run_scoped3A = tpu.sem_alloc : memref<!tpu.dma_semaphore, #tpu.memory_space<semaphore_mem>>
        %dma_start3A_20 = arith.constant 0 : i32
        %dma_start3A_21 = tpu.memref_slice %arg8[%scan3A_9, %dma_start3A_20] : memref<79x128xi32, #tpu.memory_space<vmem>> -> memref<1x128xi32, #tpu.memory_space<vmem>>
        %dma_start3A_22 = tpu.memref_squeeze %dma_start3A_21 : memref<1x128xi32, #tpu.memory_space<vmem>> -> memref<128xi32, #tpu.memory_space<vmem>>
        %dma_start3A_23 = arith.constant 0 : i32
        %dma_start3A_24 = arith.constant 0 : i32
        %dma_start3A_25 = tpu.memref_slice %arg10[%dma_start3A_23, %dma_start3A_24] : memref<10496x128xf32, #tpu.memory_space<vmem_shared>> -> memref<10496x128xf32, #tpu.memory_space<vmem_shared>>
        tpu.enqueue_indirect_dma source(%arg9 : memref<128x128xf32, #tpu.memory_space<vmem>>) target(%dma_start3A_25 : memref<10496x128xf32, #tpu.memory_space<vmem_shared>>) offsets(%dma_start3A_22 : memref<128xi32, #tpu.memory_space<vmem>>) semaphore(%run_scoped3A : memref<!tpu.dma_semaphore, #tpu.memory_space<semaphore_mem>>) {add = true}
        %dma_wait3A_26 = arith.constant 0 : i32
        %dma_wait3A_27 = tpu.memref_slice %arg8[%scan3A_9, %dma_wait3A_26] : memref<79x128xi32, #tpu.memory_space<vmem>> -> memref<1x128xi32, #tpu.memory_space<vmem>>
        %dma_wait3A_28 = tpu.memref_squeeze %dma_wait3A_27 : memref<1x128xi32, #tpu.memory_space<vmem>> -> memref<128xi32, #tpu.memory_space<vmem>>
        %dma_wait3A_29 = arith.constant 0 : i32
        %dma_wait3A_30 = arith.constant 0 : i32
        %dma_wait3A_31 = tpu.memref_slice %arg10[%dma_wait3A_29, %dma_wait3A_30] : memref<10496x128xf32, #tpu.memory_space<vmem_shared>> -> memref<10496x128xf32, #tpu.memory_space<vmem_shared>>
        tpu.wait_indirect_dma semaphore(%run_scoped3A : memref<!tpu.dma_semaphore, #tpu.memory_space<semaphore_mem>>) src(%arg9 : memref<128x128xf32, #tpu.memory_space<vmem>>) dst(%dma_wait3A_31 : memref<10496x128xf32, #tpu.memory_space<vmem_shared>>)
        tpu.yield
      }) : () -> ()
    }
    %scan3A_7 = arith.constant 79 : i32
    %barrier3A_8 = arith.constant 0 : index
    tpu.barrier barrier_id(%barrier3A_8)
    "tpu.region"() ({
      %run_scoped3A = tpu.sem_alloc : memref<!tpu.dma_semaphore, #tpu.memory_space<semaphore_mem>>
      %dma_start3A = arith.constant 0 : i32
      %dma_start3A_9 = tpu.memref_slice %arg6[%arg0, %mul3A_2, %dma_start3A] : memref<2x10496x128xf32, #tpu.memory_space<hbm>> -> memref<1x656x128xf32, #tpu.memory_space<hbm>>
      %dma_start3A_10 = tpu.memref_squeeze %dma_start3A_9 : memref<1x656x128xf32, #tpu.memory_space<hbm>> -> memref<656x128xf32, #tpu.memory_space<hbm>>
      %dma_start3A_11 = arith.constant 0 : i32
      %dma_start3A_12 = tpu.memref_slice %arg10[%mul3A_2, %dma_start3A_11] : memref<10496x128xf32, #tpu.memory_space<vmem_shared>> -> memref<656x128xf32, #tpu.memory_space<vmem_shared>>
      tpu.enqueue_dma source(%dma_start3A_12 : memref<656x128xf32, #tpu.memory_space<vmem_shared>>) target(%dma_start3A_10 : memref<656x128xf32, #tpu.memory_space<hbm>>) target_semaphore(%run_scoped3A : memref<!tpu.dma_semaphore, #tpu.memory_space<semaphore_mem>>)
      %dma_wait3A = arith.constant 0 : i32
      %dma_wait3A_13 = tpu.memref_slice %arg6[%arg0, %mul3A_2, %dma_wait3A] : memref<2x10496x128xf32, #tpu.memory_space<hbm>> -> memref<1x656x128xf32, #tpu.memory_space<hbm>>
      %dma_wait3A_14 = tpu.memref_squeeze %dma_wait3A_13 : memref<1x656x128xf32, #tpu.memory_space<hbm>> -> memref<656x128xf32, #tpu.memory_space<hbm>>
      %dma_wait3A_15 = arith.constant 0 : i32
      %dma_wait3A_16 = tpu.memref_slice %arg10[%mul3A_2, %dma_wait3A_15] : memref<10496x128xf32, #tpu.memory_space<vmem_shared>> -> memref<656x128xf32, #tpu.memory_space<vmem_shared>>
      tpu.wait_dma2 semaphore(%run_scoped3A : memref<!tpu.dma_semaphore, #tpu.memory_space<semaphore_mem>>) src(%dma_wait3A_16 : memref<656x128xf32, #tpu.memory_space<vmem_shared>>) dst(%dma_wait3A_14 : memref<656x128xf32, #tpu.memory_space<hbm>>)
      tpu.yield
    }) : () -> ()
    return
  }
}

#map = affine_map<(d0, d1) -> (0, 0)>
#map1 = affine_map<(d0, d1) -> (0, 0, 0)>
module attributes {stable_mosaic.version = 14 : i64} {
  func.func @_seg_sc(%arg0: i32, %arg1: i32, %arg2: memref<10496x128xf32, #tpu.memory_space<hbm>>, %arg3: memref<32x79x128xi32, #tpu.memory_space<hbm>>, %arg4: memref<32x79x128xi32, #tpu.memory_space<hbm>>, %arg5: memref<10496x128xf32, #tpu.memory_space<hbm>>, %arg6: memref<2x10496x128xf32, #tpu.memory_space<hbm>>, %arg7: memref<79x128xi32, #tpu.memory_space<vmem>>, %arg8: memref<79x128xi32, #tpu.memory_space<vmem>>, %arg9: memref<128x128xf32, #tpu.memory_space<vmem>>, %arg10: memref<10496x128xf32, #tpu.memory_space<vmem_shared>>, %arg11: memref<!tpu.dma_semaphore, #tpu.memory_space<semaphore_mem>>) attributes {dimension_semantics = [#tpu.dimension_semantics<core_parallel>, #tpu.dimension_semantics<subcore_parallel>], iteration_bounds = array<i64: 2, 16>, scalar_prefetch = 0 : i64, scratch_operands = 5 : i64, tpu.core_type = #tpu.core_type<sc_vector_subcore>, window_params = [{transform_indices = #map}, {transform_indices = #map1}, {transform_indices = #map1}, {transform_indices = #map}, {transform_indices = #map1}]} {
    %mul3A = arith.constant 16 : i32
    %mul3A_0 = arith.muli %arg0, %mul3A : i32
    %add3A = arith.addi %mul3A_0, %arg1 : i32
    "tpu.region"() ({
      %run_scoped3A = tpu.sem_alloc : memref<!tpu.dma_semaphore, #tpu.memory_space<semaphore_mem>>
      %dma_start3A = arith.constant 0 : i32
      %dma_start3A_9 = arith.constant 0 : i32
      %dma_start3A_10 = tpu.memref_slice %arg3[%add3A, %dma_start3A, %dma_start3A_9] : memref<32x79x128xi32, #tpu.memory_space<hbm>> -> memref<1x79x128xi32, #tpu.memory_space<hbm>>
      %dma_start3A_11 = tpu.memref_squeeze %dma_start3A_10 : memref<1x79x128xi32, #tpu.memory_space<hbm>> -> memref<79x128xi32, #tpu.memory_space<hbm>>
      %dma_start3A_12 = arith.constant 0 : i32
      %dma_start3A_13 = arith.constant 0 : i32
      %dma_start3A_14 = tpu.memref_slice %arg3[%add3A, %dma_start3A_12, %dma_start3A_13] : memref<32x79x128xi32, #tpu.memory_space<hbm>> -> memref<1x79x128xi32, #tpu.memory_space<hbm>>
      %dma_start3A_15 = tpu.memref_squeeze %dma_start3A_14 : memref<1x79x128xi32, #tpu.memory_space<hbm>> -> memref<79x128xi32, #tpu.memory_space<hbm>>
      tpu.enqueue_dma source(%dma_start3A_15 : memref<79x128xi32, #tpu.memory_space<hbm>>) target(%arg7 : memref<79x128xi32, #tpu.memory_space<vmem>>) target_semaphore(%run_scoped3A : memref<!tpu.dma_semaphore, #tpu.memory_space<semaphore_mem>>)
      %dma_wait3A = arith.constant 0 : i32
      %dma_wait3A_16 = arith.constant 0 : i32
      %dma_wait3A_17 = tpu.memref_slice %arg3[%add3A, %dma_wait3A, %dma_wait3A_16] : memref<32x79x128xi32, #tpu.memory_space<hbm>> -> memref<1x79x128xi32, #tpu.memory_space<hbm>>
      %dma_wait3A_18 = tpu.memref_squeeze %dma_wait3A_17 : memref<1x79x128xi32, #tpu.memory_space<hbm>> -> memref<79x128xi32, #tpu.memory_space<hbm>>
      %dma_wait3A_19 = arith.constant 0 : i32
      %dma_wait3A_20 = arith.constant 0 : i32
      %dma_wait3A_21 = tpu.memref_slice %arg3[%add3A, %dma_wait3A_19, %dma_wait3A_20] : memref<32x79x128xi32, #tpu.memory_space<hbm>> -> memref<1x79x128xi32, #tpu.memory_space<hbm>>
      %dma_wait3A_22 = tpu.memref_squeeze %dma_wait3A_21 : memref<1x79x128xi32, #tpu.memory_space<hbm>> -> memref<79x128xi32, #tpu.memory_space<hbm>>
      tpu.wait_dma2 semaphore(%run_scoped3A : memref<!tpu.dma_semaphore, #tpu.memory_space<semaphore_mem>>) src(%dma_wait3A_22 : memref<79x128xi32, #tpu.memory_space<hbm>>) dst(%arg7 : memref<79x128xi32, #tpu.memory_space<vmem>>)
      tpu.yield
    }) : () -> ()
    "tpu.region"() ({
      %run_scoped3A = tpu.sem_alloc : memref<!tpu.dma_semaphore, #tpu.memory_space<semaphore_mem>>
      %dma_start3A = arith.constant 0 : i32
      %dma_start3A_9 = arith.constant 0 : i32
      %dma_start3A_10 = tpu.memref_slice %arg4[%add3A, %dma_start3A, %dma_start3A_9] : memref<32x79x128xi32, #tpu.memory_space<hbm>> -> memref<1x79x128xi32, #tpu.memory_space<hbm>>
      %dma_start3A_11 = tpu.memref_squeeze %dma_start3A_10 : memref<1x79x128xi32, #tpu.memory_space<hbm>> -> memref<79x128xi32, #tpu.memory_space<hbm>>
      %dma_start3A_12 = arith.constant 0 : i32
      %dma_start3A_13 = arith.constant 0 : i32
      %dma_start3A_14 = tpu.memref_slice %arg4[%add3A, %dma_start3A_12, %dma_start3A_13] : memref<32x79x128xi32, #tpu.memory_space<hbm>> -> memref<1x79x128xi32, #tpu.memory_space<hbm>>
      %dma_start3A_15 = tpu.memref_squeeze %dma_start3A_14 : memref<1x79x128xi32, #tpu.memory_space<hbm>> -> memref<79x128xi32, #tpu.memory_space<hbm>>
      tpu.enqueue_dma source(%dma_start3A_15 : memref<79x128xi32, #tpu.memory_space<hbm>>) target(%arg8 : memref<79x128xi32, #tpu.memory_space<vmem>>) target_semaphore(%run_scoped3A : memref<!tpu.dma_semaphore, #tpu.memory_space<semaphore_mem>>)
      %dma_wait3A = arith.constant 0 : i32
      %dma_wait3A_16 = arith.constant 0 : i32
      %dma_wait3A_17 = tpu.memref_slice %arg4[%add3A, %dma_wait3A, %dma_wait3A_16] : memref<32x79x128xi32, #tpu.memory_space<hbm>> -> memref<1x79x128xi32, #tpu.memory_space<hbm>>
      %dma_wait3A_18 = tpu.memref_squeeze %dma_wait3A_17 : memref<1x79x128xi32, #tpu.memory_space<hbm>> -> memref<79x128xi32, #tpu.memory_space<hbm>>
      %dma_wait3A_19 = arith.constant 0 : i32
      %dma_wait3A_20 = arith.constant 0 : i32
      %dma_wait3A_21 = tpu.memref_slice %arg4[%add3A, %dma_wait3A_19, %dma_wait3A_20] : memref<32x79x128xi32, #tpu.memory_space<hbm>> -> memref<1x79x128xi32, #tpu.memory_space<hbm>>
      %dma_wait3A_22 = tpu.memref_squeeze %dma_wait3A_21 : memref<1x79x128xi32, #tpu.memory_space<hbm>> -> memref<79x128xi32, #tpu.memory_space<hbm>>
      tpu.wait_dma2 semaphore(%run_scoped3A : memref<!tpu.dma_semaphore, #tpu.memory_space<semaphore_mem>>) src(%dma_wait3A_22 : memref<79x128xi32, #tpu.memory_space<hbm>>) dst(%arg8 : memref<79x128xi32, #tpu.memory_space<vmem>>)
      tpu.yield
    }) : () -> ()
    %mul3A_1 = arith.constant 656 : i32
    %mul3A_2 = arith.muli %arg1, %mul3A_1 : i32
    "tpu.region"() ({
      %run_scoped3A = tpu.sem_alloc : memref<!tpu.dma_semaphore, #tpu.memory_space<semaphore_mem>>
      %dma_start3A = arith.constant 0 : i32
      %dma_start3A_9 = tpu.memref_slice %arg10[%mul3A_2, %dma_start3A] : memref<10496x128xf32, #tpu.memory_space<vmem_shared>> -> memref<656x128xf32, #tpu.memory_space<vmem_shared>>
      %dma_start3A_10 = arith.constant 0 : i32
      %dma_start3A_11 = tpu.memref_slice %arg5[%mul3A_2, %dma_start3A_10] : memref<10496x128xf32, #tpu.memory_space<hbm>> -> memref<656x128xf32, #tpu.memory_space<hbm>>
      tpu.enqueue_dma source(%dma_start3A_11 : memref<656x128xf32, #tpu.memory_space<hbm>>) target(%dma_start3A_9 : memref<656x128xf32, #tpu.memory_space<vmem_shared>>) target_semaphore(%run_scoped3A : memref<!tpu.dma_semaphore, #tpu.memory_space<semaphore_mem>>)
      %dma_wait3A = arith.constant 0 : i32
      %dma_wait3A_12 = tpu.memref_slice %arg10[%mul3A_2, %dma_wait3A] : memref<10496x128xf32, #tpu.memory_space<vmem_shared>> -> memref<656x128xf32, #tpu.memory_space<vmem_shared>>
      %dma_wait3A_13 = arith.constant 0 : i32
      %dma_wait3A_14 = tpu.memref_slice %arg5[%mul3A_2, %dma_wait3A_13] : memref<10496x128xf32, #tpu.memory_space<hbm>> -> memref<656x128xf32, #tpu.memory_space<hbm>>
      tpu.wait_dma2 semaphore(%run_scoped3A : memref<!tpu.dma_semaphore, #tpu.memory_space<semaphore_mem>>) src(%dma_wait3A_14 : memref<656x128xf32, #tpu.memory_space<hbm>>) dst(%dma_wait3A_12 : memref<656x128xf32, #tpu.memory_space<vmem_shared>>)
      tpu.yield
    }) : () -> ()
    %barrier3A = arith.constant 0 : index
    tpu.barrier barrier_id(%barrier3A)
    %scan3A = arith.constant 0 : i32
    %scan3A_3 = arith.constant 0 : i32
    %scan3A_4 = arith.constant 79 : i32
    %scan3A_5 = arith.addi %scan3A_3, %scan3A_4 : i32
    %scan3A_6 = arith.constant 1 : i32
    scf.for %scan3A_9 = %scan3A_3 to %scan3A_5 step %scan3A_6  : i32 {
      %dma_start3A = arith.constant 0 : i32
      %dma_start3A_10 = tpu.memref_slice %arg7[%scan3A_9, %dma_start3A] : memref<79x128xi32, #tpu.memory_space<vmem>> -> memref<1x128xi32, #tpu.memory_space<vmem>>
      %dma_start3A_11 = tpu.memref_squeeze %dma_start3A_10 : memref<1x128xi32, #tpu.memory_space<vmem>> -> memref<128xi32, #tpu.memory_space<vmem>>
      %dma_start3A_12 = arith.constant 0 : i32
      %dma_start3A_13 = arith.constant 0 : i32
      %dma_start3A_14 = tpu.memref_slice %arg2[%dma_start3A_12, %dma_start3A_13] : memref<10496x128xf32, #tpu.memory_space<hbm>> -> memref<10496x128xf32, #tpu.memory_space<hbm>>
      tpu.enqueue_indirect_dma source(%dma_start3A_14 : memref<10496x128xf32, #tpu.memory_space<hbm>>) target(%arg9 : memref<128x128xf32, #tpu.memory_space<vmem>>) offsets(%dma_start3A_11 : memref<128xi32, #tpu.memory_space<vmem>>) semaphore(%arg11 : memref<!tpu.dma_semaphore, #tpu.memory_space<semaphore_mem>>)
      %dma_wait3A = arith.constant 0 : i32
      %dma_wait3A_15 = tpu.memref_slice %arg7[%scan3A_9, %dma_wait3A] : memref<79x128xi32, #tpu.memory_space<vmem>> -> memref<1x128xi32, #tpu.memory_space<vmem>>
      %dma_wait3A_16 = tpu.memref_squeeze %dma_wait3A_15 : memref<1x128xi32, #tpu.memory_space<vmem>> -> memref<128xi32, #tpu.memory_space<vmem>>
      %dma_wait3A_17 = arith.constant 0 : i32
      %dma_wait3A_18 = arith.constant 0 : i32
      %dma_wait3A_19 = tpu.memref_slice %arg2[%dma_wait3A_17, %dma_wait3A_18] : memref<10496x128xf32, #tpu.memory_space<hbm>> -> memref<10496x128xf32, #tpu.memory_space<hbm>>
      tpu.wait_indirect_dma semaphore(%arg11 : memref<!tpu.dma_semaphore, #tpu.memory_space<semaphore_mem>>) src(%dma_wait3A_19 : memref<10496x128xf32, #tpu.memory_space<hbm>>) dst(%arg9 : memref<128x128xf32, #tpu.memory_space<vmem>>)
      "tpu.region"() ({
        %run_scoped3A = tpu.sem_alloc : memref<!tpu.dma_semaphore, #tpu.memory_space<semaphore_mem>>
        %dma_start3A_20 = arith.constant 0 : i32
        %dma_start3A_21 = tpu.memref_slice %arg8[%scan3A_9, %dma_start3A_20] : memref<79x128xi32, #tpu.memory_space<vmem>> -> memref<1x128xi32, #tpu.memory_space<vmem>>
        %dma_start3A_22 = tpu.memref_squeeze %dma_start3A_21 : memref<1x128xi32, #tpu.memory_space<vmem>> -> memref<128xi32, #tpu.memory_space<vmem>>
        %dma_start3A_23 = arith.constant 0 : i32
        %dma_start3A_24 = arith.constant 0 : i32
        %dma_start3A_25 = tpu.memref_slice %arg10[%dma_start3A_23, %dma_start3A_24] : memref<10496x128xf32, #tpu.memory_space<vmem_shared>> -> memref<10496x128xf32, #tpu.memory_space<vmem_shared>>
        tpu.enqueue_indirect_dma source(%arg9 : memref<128x128xf32, #tpu.memory_space<vmem>>) target(%dma_start3A_25 : memref<10496x128xf32, #tpu.memory_space<vmem_shared>>) offsets(%dma_start3A_22 : memref<128xi32, #tpu.memory_space<vmem>>) semaphore(%run_scoped3A : memref<!tpu.dma_semaphore, #tpu.memory_space<semaphore_mem>>) {add = true}
        %dma_wait3A_26 = arith.constant 0 : i32
        %dma_wait3A_27 = tpu.memref_slice %arg8[%scan3A_9, %dma_wait3A_26] : memref<79x128xi32, #tpu.memory_space<vmem>> -> memref<1x128xi32, #tpu.memory_space<vmem>>
        %dma_wait3A_28 = tpu.memref_squeeze %dma_wait3A_27 : memref<1x128xi32, #tpu.memory_space<vmem>> -> memref<128xi32, #tpu.memory_space<vmem>>
        %dma_wait3A_29 = arith.constant 0 : i32
        %dma_wait3A_30 = arith.constant 0 : i32
        %dma_wait3A_31 = tpu.memref_slice %arg10[%dma_wait3A_29, %dma_wait3A_30] : memref<10496x128xf32, #tpu.memory_space<vmem_shared>> -> memref<10496x128xf32, #tpu.memory_space<vmem_shared>>
        tpu.wait_indirect_dma semaphore(%run_scoped3A : memref<!tpu.dma_semaphore, #tpu.memory_space<semaphore_mem>>) src(%arg9 : memref<128x128xf32, #tpu.memory_space<vmem>>) dst(%dma_wait3A_31 : memref<10496x128xf32, #tpu.memory_space<vmem_shared>>)
        tpu.yield
      }) : () -> ()
    }
    %scan3A_7 = arith.constant 79 : i32
    %barrier3A_8 = arith.constant 0 : index
    tpu.barrier barrier_id(%barrier3A_8)
    "tpu.region"() ({
      %run_scoped3A = tpu.sem_alloc : memref<!tpu.dma_semaphore, #tpu.memory_space<semaphore_mem>>
      %dma_start3A = arith.constant 0 : i32
      %dma_start3A_9 = tpu.memref_slice %arg6[%arg0, %mul3A_2, %dma_start3A] : memref<2x10496x128xf32, #tpu.memory_space<hbm>> -> memref<1x656x128xf32, #tpu.memory_space<hbm>>
      %dma_start3A_10 = tpu.memref_squeeze %dma_start3A_9 : memref<1x656x128xf32, #tpu.memory_space<hbm>> -> memref<656x128xf32, #tpu.memory_space<hbm>>
      %dma_start3A_11 = arith.constant 0 : i32
      %dma_start3A_12 = tpu.memref_slice %arg10[%mul3A_2, %dma_start3A_11] : memref<10496x128xf32, #tpu.memory_space<vmem_shared>> -> memref<656x128xf32, #tpu.memory_space<vmem_shared>>
      tpu.enqueue_dma source(%dma_start3A_12 : memref<656x128xf32, #tpu.memory_space<vmem_shared>>) target(%dma_start3A_10 : memref<656x128xf32, #tpu.memory_space<hbm>>) target_semaphore(%run_scoped3A : memref<!tpu.dma_semaphore, #tpu.memory_space<semaphore_mem>>)
      %dma_wait3A = arith.constant 0 : i32
      %dma_wait3A_13 = tpu.memref_slice %arg6[%arg0, %mul3A_2, %dma_wait3A] : memref<2x10496x128xf32, #tpu.memory_space<hbm>> -> memref<1x656x128xf32, #tpu.memory_space<hbm>>
      %dma_wait3A_14 = tpu.memref_squeeze %dma_wait3A_13 : memref<1x656x128xf32, #tpu.memory_space<hbm>> -> memref<656x128xf32, #tpu.memory_space<hbm>>
      %dma_wait3A_15 = arith.constant 0 : i32
      %dma_wait3A_16 = tpu.memref_slice %arg10[%mul3A_2, %dma_wait3A_15] : memref<10496x128xf32, #tpu.memory_space<vmem_shared>> -> memref<656x128xf32, #tpu.memory_space<vmem_shared>>
      tpu.wait_dma2 semaphore(%run_scoped3A : memref<!tpu.dma_semaphore, #tpu.memory_space<semaphore_mem>>) src(%dma_wait3A_16 : memref<656x128xf32, #tpu.memory_space<vmem_shared>>) dst(%dma_wait3A_14 : memref<656x128xf32, #tpu.memory_space<hbm>>)
      tpu.yield
    }) : () -> ()
    return
  }
}

module attributes {stable_mosaic.version = 14 : i64} {
  func.func @_enc_body(%arg0: i32, %arg1: memref<256x128xf32, #tpu.memory_space<vmem>>, %arg2: memref<128x128xf32, #tpu.memory_space<vmem>>, %arg3: memref<1x128xf32, #tpu.memory_space<vmem>>, %arg4: memref<256x128xf32, #tpu.memory_space<vmem>>) attributes {dimension_semantics = [#tpu.dimension_semantics<arbitrary>], iteration_bounds = array<i64: 41>, scalar_prefetch = 0 : i64, scratch_operands = 0 : i64, tpu.core_type = #tpu.core_type<tc>, window_params = [{transform_indices = @transform_0, window_bounds = array<i64: 256, 128>}, {pipeline_mode = #tpu.pipeline_mode<synchronous>, transform_indices = @transform_1, window_bounds = array<i64: 128, 128>}, {pipeline_mode = #tpu.pipeline_mode<synchronous>, transform_indices = @transform_2, window_bounds = array<i64: 1, 128>}, {transform_indices = @transform_3, window_bounds = array<i64: 256, 128>}]} {
    %get3A = arith.constant 0 : index
    %get3A_0 = arith.constant 0 : index
    %get3A_1 = vector.load %arg1[%get3A, %get3A_0] : memref<256x128xf32, #tpu.memory_space<vmem>>, vector<256x128xf32>
    %get3A_2 = arith.constant 0 : index
    %get3A_3 = arith.constant 0 : index
    %get3A_4 = vector.load %arg2[%get3A_2, %get3A_3] : memref<128x128xf32, #tpu.memory_space<vmem>>, vector<128x128xf32>
    %dot_general3A = arith.constant dense<0.000000e+00> : vector<256x128xf32>
    %dot_general3A_5 = tpu.matmul %get3A_1, %get3A_4, %dot_general3A {dimension_numbers = #tpu.dot_dimension_numbers<[1], [0], [0], [1], [0, 0, 1, 1], [], []>, transpose_lhs_hint = false} : vector<256x128xf32>, vector<128x128xf32>, vector<256x128xf32> -> vector<256x128xf32>
    %get3A_6 = arith.constant 0 : index
    %get3A_7 = arith.constant 0 : index
    %get3A_8 = vector.load %arg3[%get3A_6, %get3A_7] : memref<1x128xf32, #tpu.memory_space<vmem>>, vector<1x128xf32>
    %add3A = vector.broadcast %get3A_8 : vector<1x128xf32> to vector<256x128xf32>
    %add3A_9 = arith.addf %dot_general3A_5, %add3A : vector<256x128xf32>
    %swap3A = arith.constant 0 : index
    %swap3A_10 = arith.constant 0 : index
    %swap3A_11 = vector.load %arg4[%swap3A, %swap3A_10] : memref<256x128xf32, #tpu.memory_space<vmem>>, vector<256x128xf32>
    tpu.vector_store %arg4[%swap3A, %swap3A_10], %add3A_9 {strides = array<i32>} : memref<256x128xf32, #tpu.memory_space<vmem>>, vector<256x128xf32>,
    return
  }
  func.func @transform_0(%arg0: i32) -> (i32, i32) {
    %c0_i32 = arith.constant 0 : i32
    %c0_i32_0 = arith.constant 0 : i32
    return %arg0, %c0_i32 : i32, i32
  }
  func.func @transform_1(%arg0: i32) -> (i32, i32) {
    %c0_i32 = arith.constant 0 : i32
    %c0_i32_0 = arith.constant 0 : i32
    %c0_i32_1 = arith.constant 0 : i32
    return %c0_i32, %c0_i32_0 : i32, i32
  }
  func.func @transform_2(%arg0: i32) -> (i32, i32) {
    %c0_i32 = arith.constant 0 : i32
    %c0_i32_0 = arith.constant 0 : i32
    %c0_i32_1 = arith.constant 0 : i32
    return %c0_i32, %c0_i32_0 : i32, i32
  }
  func.func @transform_3(%arg0: i32) -> (i32, i32) {
    %c0_i32 = arith.constant 0 : i32
    %c0_i32_0 = arith.constant 0 : i32
    return %arg0, %c0_i32 : i32, i32
  }
}

module attributes {stable_mosaic.version = 14 : i64} {
  func.func @_ffn_body(%arg0: i32, %arg1: memref<256x128xf32, #tpu.memory_space<vmem>>, %arg2: memref<128x256xf32, #tpu.memory_space<vmem>>, %arg3: memref<1x256xf32, #tpu.memory_space<vmem>>, %arg4: memref<256x128xf32, #tpu.memory_space<vmem>>, %arg5: memref<1x128xf32, #tpu.memory_space<vmem>>, %arg6: memref<256x128xf32, #tpu.memory_space<vmem>>, %arg7: memref<8x128xf32, #tpu.memory_space<vmem>>) attributes {dimension_semantics = [#tpu.dimension_semantics<arbitrary>], iteration_bounds = array<i64: 41>, scalar_prefetch = 0 : i64, scratch_operands = 0 : i64, tpu.core_type = #tpu.core_type<tc>, window_params = [{transform_indices = @transform_0, window_bounds = array<i64: 256, 128>}, {pipeline_mode = #tpu.pipeline_mode<synchronous>, transform_indices = @transform_1, window_bounds = array<i64: 128, 256>}, {pipeline_mode = #tpu.pipeline_mode<synchronous>, transform_indices = @transform_2, window_bounds = array<i64: 1, 256>}, {pipeline_mode = #tpu.pipeline_mode<synchronous>, transform_indices = @transform_3, window_bounds = array<i64: 256, 128>}, {pipeline_mode = #tpu.pipeline_mode<synchronous>, transform_indices = @transform_4, window_bounds = array<i64: 1, 128>}, {transform_indices = @transform_5, window_bounds = array<i64: 256, 128>}, {pipeline_mode = #tpu.pipeline_mode<synchronous>, transform_indices = @transform_6, window_bounds = array<i64: 8, 128>}]} {
    %get3A = arith.constant 0 : index
    %get3A_0 = arith.constant 0 : index
    %get3A_1 = vector.load %arg1[%get3A, %get3A_0] : memref<256x128xf32, #tpu.memory_space<vmem>>, vector<256x128xf32>
    %get3A_2 = arith.constant 0 : index
    %get3A_3 = arith.constant 0 : index
    %get3A_4 = vector.load %arg2[%get3A_2, %get3A_3] : memref<128x256xf32, #tpu.memory_space<vmem>>, vector<128x256xf32>
    %dot_general3A = arith.constant dense<0.000000e+00> : vector<256x256xf32>
    %dot_general3A_5 = tpu.matmul %get3A_1, %get3A_4, %dot_general3A {dimension_numbers = #tpu.dot_dimension_numbers<[1], [0], [0], [1], [0, 0, 1, 1], [], []>, transpose_lhs_hint = false} : vector<256x128xf32>, vector<128x256xf32>, vector<256x256xf32> -> vector<256x256xf32>
    %get3A_6 = arith.constant 0 : index
    %get3A_7 = arith.constant 0 : index
    %get3A_8 = vector.load %arg3[%get3A_6, %get3A_7] : memref<1x256xf32, #tpu.memory_space<vmem>>, vector<1x256xf32>
    %add3A = vector.broadcast %get3A_8 : vector<1x256xf32> to vector<256x256xf32>
    %add3A_9 = arith.addf %dot_general3A_5, %add3A : vector<256x256xf32>
    %max3A = arith.constant 0.000000e+00 : f32
    %max3A_10 = vector.broadcast %max3A : f32 to vector<256x256xf32>
    %max3A_11 = arith.maximumf %add3A_9, %max3A_10 : vector<256x256xf32>
    %get3A_12 = arith.constant 0 : index
    %get3A_13 = arith.constant 0 : index
    %get3A_14 = vector.load %arg4[%get3A_12, %get3A_13] : memref<256x128xf32, #tpu.memory_space<vmem>>, vector<256x128xf32>
    %dot_general3A_15 = arith.constant dense<0.000000e+00> : vector<256x128xf32>
    %dot_general3A_16 = tpu.matmul %max3A_11, %get3A_14, %dot_general3A_15 {dimension_numbers = #tpu.dot_dimension_numbers<[1], [0], [0], [1], [0, 0, 1, 1], [], []>, transpose_lhs_hint = false} : vector<256x256xf32>, vector<256x128xf32>, vector<256x128xf32> -> vector<256x128xf32>
    %get3A_17 = arith.constant 0 : index
    %get3A_18 = arith.constant 0 : index
    %get3A_19 = vector.load %arg5[%get3A_17, %get3A_18] : memref<1x128xf32, #tpu.memory_space<vmem>>, vector<1x128xf32>
    %add3A_20 = vector.broadcast %get3A_19 : vector<1x128xf32> to vector<256x128xf32>
    %add3A_21 = arith.addf %dot_general3A_16, %add3A_20 : vector<256x128xf32>
    %add3A_22 = arith.addf %get3A_1, %add3A_21 : vector<256x128xf32>
    %swap3A = arith.constant 0 : index
    %swap3A_23 = arith.constant 0 : index
    %swap3A_24 = vector.load %arg6[%swap3A, %swap3A_23] : memref<256x128xf32, #tpu.memory_space<vmem>>, vector<256x128xf32>
    tpu.vector_store %arg6[%swap3A, %swap3A_23], %add3A_22 {strides = array<i32>} : memref<256x128xf32, #tpu.memory_space<vmem>>, vector<256x128xf32>,
    %mul3A = arith.constant 256 : i32
    %mul3A_25 = arith.muli %arg0, %mul3A : i32
    %iota3A = tpu.iota {dimensions = array<i32: 0>} : vector<256x1xi32>
    %add3A_26 = vector.broadcast %mul3A_25 : i32 to vector<256x1xi32>
    %add3A_27 = arith.addi %add3A_26, %iota3A : vector<256x1xi32>
    %lt3A = arith.constant 10000 : i32
    %lt3A_28 = vector.broadcast %lt3A : i32 to vector<256x1xi32>
    %lt3A_29 = arith.cmpi slt, %add3A_27, %lt3A_28 : vector<256x1xi32>
    %jit3A = arith.constant 0.000000e+00 : f32
    %broadcast_in_dim3A = vector.shape_cast %lt3A_29 : vector<256x1xi1> to vector<256x1xi1>
    %broadcast_in_dim3A_30 = vector.broadcast %broadcast_in_dim3A : vector<256x1xi1> to vector<256x128xi1>
    %broadcast_in_dim3A_31 = vector.broadcast %jit3A : f32 to vector<256x128xf32>
    %select_n3A = arith.select %broadcast_in_dim3A_30, %add3A_22, %broadcast_in_dim3A_31 : vector<256x128xi1>, vector<256x128xf32>
    %reduce_sum3A = arith.constant dense<0.000000e+00> : vector<128xf32>
    %reduce_sum3A_32 = vector.multi_reduction <add>, %select_n3A, %reduce_sum3A [0] : vector<256x128xf32> to vector<128xf32>
    %mul3A_33 = arith.mulf %select_n3A, %select_n3A : vector<256x128xf32>
    %reduce_sum3A_34 = arith.constant dense<0.000000e+00> : vector<128xf32>
    %reduce_sum3A_35 = vector.multi_reduction <add>, %mul3A_33, %reduce_sum3A_34 [0] : vector<256x128xf32> to vector<128xf32>
    %broadcast_in_dim3A_36 = vector.shape_cast %reduce_sum3A_32 : vector<128xf32> to vector<1x128xf32>
    %broadcast_in_dim3A_37 = vector.shape_cast %reduce_sum3A_35 : vector<128xf32> to vector<1x128xf32>
    %broadcast_in_dim3A_38 = arith.constant 0.000000e+00 : f32
    %broadcast_in_dim3A_39 = vector.broadcast %broadcast_in_dim3A_38 : f32 to vector<6x128xf32>
    %concatenate3A = tpu.concatenate %broadcast_in_dim3A_36, %broadcast_in_dim3A_37, %broadcast_in_dim3A_39 in 0 : vector<1x128xf32>, vector<1x128xf32>, vector<6x128xf32> -> vector<8x128xf32>
    %eq3A = arith.constant 0 : i32
    %eq3A_40 = arith.cmpi eq, %arg0, %eq3A : i32
    %convert_element_type3A = arith.extui %eq3A_40 : i1 to i32
    %cond3A = arith.constant 0 : i32
    %cond3A_41 = arith.cmpi ne, %convert_element_type3A, %cond3A : i32
    scf.if %cond3A_41 {
      %swap3A_46 = arith.constant 0 : index
      %swap3A_47 = arith.constant 0 : index
      %swap3A_48 = vector.load %arg7[%swap3A_46, %swap3A_47] : memref<8x128xf32, #tpu.memory_space<vmem>>, vector<8x128xf32>
      tpu.vector_store %arg7[%swap3A_46, %swap3A_47], %concatenate3A {strides = array<i32>} : memref<8x128xf32, #tpu.memory_space<vmem>>, vector<8x128xf32>,
    } else {
    }
    %gt3A = arith.constant 0 : i32
    %gt3A_42 = arith.cmpi sgt, %arg0, %gt3A : i32
    %convert_element_type3A_43 = arith.extui %gt3A_42 : i1 to i32
    %cond3A_44 = arith.constant 0 : i32
    %cond3A_45 = arith.cmpi ne, %convert_element_type3A_43, %cond3A_44 : i32
    scf.if %cond3A_45 {
      %get3A_46 = arith.constant 0 : index
      %get3A_47 = arith.constant 0 : index
      %get3A_48 = vector.load %arg7[%get3A_46, %get3A_47] : memref<8x128xf32, #tpu.memory_space<vmem>>, vector<8x128xf32>
      %add3A_49 = arith.addf %get3A_48, %concatenate3A : vector<8x128xf32>
      %swap3A_50 = arith.constant 0 : index
      %swap3A_51 = arith.constant 0 : index
      %swap3A_52 = vector.load %arg7[%swap3A_50, %swap3A_51] : memref<8x128xf32, #tpu.memory_space<vmem>>, vector<8x128xf32>
      tpu.vector_store %arg7[%swap3A_50, %swap3A_51], %add3A_49 {strides = array<i32>} : memref<8x128xf32, #tpu.memory_space<vmem>>, vector<8x128xf32>,
    } else {
    }
    return
  }
  func.func @transform_0(%arg0: i32) -> (i32, i32) {
    %c0_i32 = arith.constant 0 : i32
    %c0_i32_0 = arith.constant 0 : i32
    return %arg0, %c0_i32 : i32, i32
  }
  func.func @transform_1(%arg0: i32) -> (i32, i32) {
    %c0_i32 = arith.constant 0 : i32
    %c0_i32_0 = arith.constant 0 : i32
    %c0_i32_1 = arith.constant 0 : i32
    return %c0_i32, %c0_i32_0 : i32, i32
  }
  func.func @transform_2(%arg0: i32) -> (i32, i32) {
    %c0_i32 = arith.constant 0 : i32
    %c0_i32_0 = arith.constant 0 : i32
    %c0_i32_1 = arith.constant 0 : i32
    return %c0_i32, %c0_i32_0 : i32, i32
  }
  func.func @transform_3(%arg0: i32) -> (i32, i32) {
    %c0_i32 = arith.constant 0 : i32
    %c0_i32_0 = arith.constant 0 : i32
    %c0_i32_1 = arith.constant 0 : i32
    return %c0_i32, %c0_i32_0 : i32, i32
  }
  func.func @transform_4(%arg0: i32) -> (i32, i32) {
    %c0_i32 = arith.constant 0 : i32
    %c0_i32_0 = arith.constant 0 : i32
    %c0_i32_1 = arith.constant 0 : i32
    return %c0_i32, %c0_i32_0 : i32, i32
  }
  func.func @transform_5(%arg0: i32) -> (i32, i32) {
    %c0_i32 = arith.constant 0 : i32
    %c0_i32_0 = arith.constant 0 : i32
    return %arg0, %c0_i32 : i32, i32
  }
  func.func @transform_6(%arg0: i32) -> (i32, i32) {
    %c0_i32 = arith.constant 0 : i32
    %c0_i32_0 = arith.constant 0 : i32
    %c0_i32_1 = arith.constant 0 : i32
    return %c0_i32, %c0_i32_0 : i32, i32
  }
}

module attributes {stable_mosaic.version = 14 : i64} {
  func.func @_bn_body(%arg0: i32, %arg1: memref<256x128xf32, #tpu.memory_space<vmem>>, %arg2: memref<8x128xf32, #tpu.memory_space<vmem>>, %arg3: memref<1x128xf32, #tpu.memory_space<vmem>>, %arg4: memref<1x128xf32, #tpu.memory_space<vmem>>, %arg5: memref<256x128xf32, #tpu.memory_space<vmem>>) attributes {dimension_semantics = [#tpu.dimension_semantics<arbitrary>], iteration_bounds = array<i64: 41>, scalar_prefetch = 0 : i64, scratch_operands = 0 : i64, tpu.core_type = #tpu.core_type<tc>, window_params = [{transform_indices = @transform_0, window_bounds = array<i64: 256, 128>}, {pipeline_mode = #tpu.pipeline_mode<synchronous>, transform_indices = @transform_1, window_bounds = array<i64: 8, 128>}, {pipeline_mode = #tpu.pipeline_mode<synchronous>, transform_indices = @transform_2, window_bounds = array<i64: 1, 128>}, {pipeline_mode = #tpu.pipeline_mode<synchronous>, transform_indices = @transform_3, window_bounds = array<i64: 1, 128>}, {transform_indices = @transform_4, window_bounds = array<i64: 256, 128>}]} {
    %get3A = arith.constant 0 : index
    %get3A_0 = arith.constant 0 : index
    %get3A_1 = vector.load %arg2[%get3A, %get3A_0] : memref<8x128xf32, #tpu.memory_space<vmem>>, vector<1x128xf32>
    %get3A_2 = vector.shape_cast %get3A_1 : vector<1x128xf32> to vector<128xf32>
    %div3A = arith.constant 1.000000e+04 : f32
    %div3A_3 = vector.broadcast %div3A : f32 to vector<128xf32>
    %div3A_4 = arith.divf %get3A_2, %div3A_3 : vector<128xf32>
    %get3A_5 = arith.constant 1 : index
    %get3A_6 = arith.constant 0 : index
    %get3A_7 = vector.load %arg2[%get3A_5, %get3A_6] : memref<8x128xf32, #tpu.memory_space<vmem>>, vector<1x128xf32>
    %get3A_8 = vector.shape_cast %get3A_7 : vector<1x128xf32> to vector<128xf32>
    %div3A_9 = arith.constant 1.000000e+04 : f32
    %div3A_10 = vector.broadcast %div3A_9 : f32 to vector<128xf32>
    %div3A_11 = arith.divf %get3A_8, %div3A_10 : vector<128xf32>
    %mul3A = arith.mulf %div3A_4, %div3A_4 : vector<128xf32>
    %sub3A = arith.subf %div3A_11, %mul3A : vector<128xf32>
    %add3A = arith.constant 9.99999974E-6 : f32
    %add3A_12 = vector.broadcast %add3A : f32 to vector<128xf32>
    %add3A_13 = arith.addf %sub3A, %add3A_12 : vector<128xf32>
    %rsqrt3A = math.rsqrt %add3A_13 : vector<128xf32>
    %get3A_14 = arith.constant 0 : index
    %get3A_15 = arith.constant 0 : index
    %get3A_16 = vector.load %arg3[%get3A_14, %get3A_15] : memref<1x128xf32, #tpu.memory_space<vmem>>, vector<1x128xf32>
    %get3A_17 = arith.constant 0 : index
    %get3A_18 = arith.constant 0 : index
    %get3A_19 = vector.load %arg1[%get3A_17, %get3A_18] : memref<256x128xf32, #tpu.memory_space<vmem>>, vector<256x128xf32>
    %broadcast_in_dim3A = vector.shape_cast %div3A_4 : vector<128xf32> to vector<1x128xf32>
    %sub3A_20 = vector.broadcast %broadcast_in_dim3A : vector<1x128xf32> to vector<256x128xf32>
    %sub3A_21 = arith.subf %get3A_19, %sub3A_20 : vector<256x128xf32>
    %mul3A_22 = vector.broadcast %get3A_16 : vector<1x128xf32> to vector<256x128xf32>
    %mul3A_23 = arith.mulf %mul3A_22, %sub3A_21 : vector<256x128xf32>
    %broadcast_in_dim3A_24 = vector.shape_cast %rsqrt3A : vector<128xf32> to vector<1x128xf32>
    %mul3A_25 = vector.broadcast %broadcast_in_dim3A_24 : vector<1x128xf32> to vector<256x128xf32>
    %mul3A_26 = arith.mulf %mul3A_23, %mul3A_25 : vector<256x128xf32>
    %get3A_27 = arith.constant 0 : index
    %get3A_28 = arith.constant 0 : index
    %get3A_29 = vector.load %arg4[%get3A_27, %get3A_28] : memref<1x128xf32, #tpu.memory_space<vmem>>, vector<1x128xf32>
    %add3A_30 = vector.broadcast %get3A_29 : vector<1x128xf32> to vector<256x128xf32>
    %add3A_31 = arith.addf %mul3A_26, %add3A_30 : vector<256x128xf32>
    %swap3A = arith.constant 0 : index
    %swap3A_32 = arith.constant 0 : index
    %swap3A_33 = vector.load %arg5[%swap3A, %swap3A_32] : memref<256x128xf32, #tpu.memory_space<vmem>>, vector<256x128xf32>
    tpu.vector_store %arg5[%swap3A, %swap3A_32], %add3A_31 {strides = array<i32>} : memref<256x128xf32, #tpu.memory_space<vmem>>, vector<256x128xf32>,
    return
  }
  func.func @transform_0(%arg0: i32) -> (i32, i32) {
    %c0_i32 = arith.constant 0 : i32
    %c0_i32_0 = arith.constant 0 : i32
    return %arg0, %c0_i32 : i32, i32
  }
  func.func @transform_1(%arg0: i32) -> (i32, i32) {
    %c0_i32 = arith.constant 0 : i32
    %c0_i32_0 = arith.constant 0 : i32
    %c0_i32_1 = arith.constant 0 : i32
    return %c0_i32, %c0_i32_0 : i32, i32
  }
  func.func @transform_2(%arg0: i32) -> (i32, i32) {
    %c0_i32 = arith.constant 0 : i32
    %c0_i32_0 = arith.constant 0 : i32
    %c0_i32_1 = arith.constant 0 : i32
    return %c0_i32, %c0_i32_0 : i32, i32
  }
  func.func @transform_3(%arg0: i32) -> (i32, i32) {
    %c0_i32 = arith.constant 0 : i32
    %c0_i32_0 = arith.constant 0 : i32
    %c0_i32_1 = arith.constant 0 : i32
    return %c0_i32, %c0_i32_0 : i32, i32
  }
  func.func @transform_4(%arg0: i32) -> (i32, i32) {
    %c0_i32 = arith.constant 0 : i32
    %c0_i32_0 = arith.constant 0 : i32
    return %arg0, %c0_i32 : i32, i32
  }
}

module attributes {stable_mosaic.version = 14 : i64} {
  func.func @_attn_body(%arg0: i32, %arg1: memref<100xi32, #tpu.memory_space<smem>>, %arg2: memref<100xi32, #tpu.memory_space<smem>>, %arg3: memref<10496x128xf32, #tpu.memory_space<vmem>>, %arg4: memref<2x128x128xf32, #tpu.memory_space<vmem>>, %arg5: memref<2x128x128xf32, #tpu.memory_space<vmem>>, %arg6: memref<1x256x128xf32, #tpu.memory_space<vmem>>) attributes {dimension_semantics = [#tpu.dimension_semantics<arbitrary>], iteration_bounds = array<i64: 100>, scalar_prefetch = 2 : i64, scratch_operands = 0 : i64, tpu.core_type = #tpu.core_type<tc>, window_params = [{pipeline_mode = #tpu.pipeline_mode<synchronous>, transform_indices = @transform_0, window_bounds = array<i64: 10496, 128>}, {pipeline_mode = #tpu.pipeline_mode<synchronous>, transform_indices = @transform_1, window_bounds = array<i64: 2, 128, 128>}, {pipeline_mode = #tpu.pipeline_mode<synchronous>, transform_indices = @transform_2, window_bounds = array<i64: 2, 128, 128>}, {transform_indices = @transform_3, window_bounds = array<i64: 1, 256, 128>}]} {
    %get3A = arith.index_cast %arg0 : i32 to index
    %get3A_0 = memref.load %arg1[%get3A] : memref<100xi32, #tpu.memory_space<smem>>
    %get3A_1 = arith.index_cast %arg0 : i32 to index
    %get3A_2 = memref.load %arg2[%get3A_1] : memref<100xi32, #tpu.memory_space<smem>>
    %get3A_3 = arith.index_cast %get3A_0 : i32 to index
    %get3A_4 = arith.constant 0 : index
    %get3A_5 = vector.load %arg3[%get3A_3, %get3A_4] : memref<10496x128xf32, #tpu.memory_space<vmem>>, vector<256x128xf32>
    %iota3A = tpu.iota {dimensions = array<i32: 0>} : vector<256x1xi32>
    %lt3A = vector.broadcast %get3A_2 : i32 to vector<256x1xi32>
    %lt3A_6 = arith.cmpi slt, %iota3A, %lt3A : vector<256x1xi32>
    %jit3A = arith.constant 0.000000e+00 : f32
    %broadcast_in_dim3A = vector.shape_cast %lt3A_6 : vector<256x1xi1> to vector<256x1xi1>
    %broadcast_in_dim3A_7 = vector.broadcast %broadcast_in_dim3A : vector<256x1xi1> to vector<256x128xi1>
    %broadcast_in_dim3A_8 = vector.broadcast %jit3A : f32 to vector<256x128xf32>
    %select_n3A = arith.select %broadcast_in_dim3A_7, %get3A_5, %broadcast_in_dim3A_8 : vector<256x128xi1>, vector<256x128xf32>
    %get3A_9 = arith.constant 0 : index
    %get3A_10 = arith.constant 0 : index
    %get3A_11 = arith.constant 0 : index
    %get3A_12 = vector.load %arg4[%get3A_9, %get3A_10, %get3A_11] : memref<2x128x128xf32, #tpu.memory_space<vmem>>, vector<1x128x128xf32>
    %get3A_13 = vector.shape_cast %get3A_12 : vector<1x128x128xf32> to vector<128x128xf32>
    %dot_general3A = arith.constant dense<0.000000e+00> : vector<256x128xf32>
    %dot_general3A_14 = tpu.matmul %select_n3A, %get3A_13, %dot_general3A {dimension_numbers = #tpu.dot_dimension_numbers<[1], [0], [0], [1], [0, 0, 1, 1], [], []>, transpose_lhs_hint = false} : vector<256x128xf32>, vector<128x128xf32>, vector<256x128xf32> -> vector<256x128xf32>
    %get3A_15 = arith.constant 0 : index
    %get3A_16 = arith.constant 0 : index
    %get3A_17 = arith.constant 0 : index
    %get3A_18 = vector.load %arg5[%get3A_15, %get3A_16, %get3A_17] : memref<2x128x128xf32, #tpu.memory_space<vmem>>, vector<1x128x128xf32>
    %get3A_19 = vector.shape_cast %get3A_18 : vector<1x128x128xf32> to vector<128x128xf32>
    %dot_general3A_20 = arith.constant dense<0.000000e+00> : vector<256x128xf32>
    %dot_general3A_21 = tpu.matmul %select_n3A, %get3A_19, %dot_general3A_20 {dimension_numbers = #tpu.dot_dimension_numbers<[1], [0], [0], [1], [0, 0, 1, 1], [], []>, transpose_lhs_hint = false} : vector<256x128xf32>, vector<128x128xf32>, vector<256x128xf32> -> vector<256x128xf32>
    %get3A_22 = arith.constant 1 : index
    %get3A_23 = arith.constant 0 : index
    %get3A_24 = arith.constant 0 : index
    %get3A_25 = vector.load %arg4[%get3A_22, %get3A_23, %get3A_24] : memref<2x128x128xf32, #tpu.memory_space<vmem>>, vector<1x128x128xf32>
    %get3A_26 = vector.shape_cast %get3A_25 : vector<1x128x128xf32> to vector<128x128xf32>
    %dot_general3A_27 = arith.constant dense<0.000000e+00> : vector<256x128xf32>
    %dot_general3A_28 = tpu.matmul %select_n3A, %get3A_26, %dot_general3A_27 {dimension_numbers = #tpu.dot_dimension_numbers<[1], [0], [0], [1], [0, 0, 1, 1], [], []>, transpose_lhs_hint = false} : vector<256x128xf32>, vector<128x128xf32>, vector<256x128xf32> -> vector<256x128xf32>
    %get3A_29 = arith.constant 1 : index
    %get3A_30 = arith.constant 0 : index
    %get3A_31 = arith.constant 0 : index
    %get3A_32 = vector.load %arg5[%get3A_29, %get3A_30, %get3A_31] : memref<2x128x128xf32, #tpu.memory_space<vmem>>, vector<1x128x128xf32>
    %get3A_33 = vector.shape_cast %get3A_32 : vector<1x128x128xf32> to vector<128x128xf32>
    %dot_general3A_34 = arith.constant dense<0.000000e+00> : vector<256x128xf32>
    %dot_general3A_35 = tpu.matmul %select_n3A, %get3A_33, %dot_general3A_34 {dimension_numbers = #tpu.dot_dimension_numbers<[1], [0], [0], [1], [0, 0, 1, 1], [], []>, transpose_lhs_hint = false} : vector<256x128xf32>, vector<128x128xf32>, vector<256x128xf32> -> vector<256x128xf32>
    %dot_general3A_36 = arith.constant dense<0.000000e+00> : vector<256x256xf32>
    %dot_general3A_37 = tpu.matmul %dot_general3A_14, %dot_general3A_21, %dot_general3A_36 {dimension_numbers = #tpu.dot_dimension_numbers<[1], [1], [0], [0], [0, 0, 1, 0], [], []>, transpose_lhs_hint = false} : vector<256x128xf32>, vector<256x128xf32>, vector<256x256xf32> -> vector<256x256xf32>
    %dot_general3A_38 = arith.constant dense<0.000000e+00> : vector<256x256xf32>
    %dot_general3A_39 = tpu.matmul %dot_general3A_28, %dot_general3A_35, %dot_general3A_38 {dimension_numbers = #tpu.dot_dimension_numbers<[1], [1], [0], [0], [0, 0, 1, 0], [], []>, transpose_lhs_hint = false} : vector<256x128xf32>, vector<256x128xf32>, vector<256x256xf32> -> vector<256x256xf32>
    %div3A = arith.constant 11.3137083 : f32
    %div3A_40 = vector.broadcast %div3A : f32 to vector<256x256xf32>
    %div3A_41 = arith.divf %dot_general3A_37, %div3A_40 : vector<256x256xf32>
    %div3A_42 = arith.constant 11.3137083 : f32
    %div3A_43 = vector.broadcast %div3A_42 : f32 to vector<256x256xf32>
    %div3A_44 = arith.divf %dot_general3A_39, %div3A_43 : vector<256x256xf32>
    %add3A = arith.addf %div3A_41, %div3A_44 : vector<256x256xf32>
    %mul3A = arith.constant 5.000000e-01 : f32
    %mul3A_45 = vector.broadcast %mul3A : f32 to vector<256x256xf32>
    %mul3A_46 = arith.mulf %add3A, %mul3A_45 : vector<256x256xf32>
    %iota3A_47 = tpu.iota {dimensions = array<i32: 1>} : vector<256x256xi32>
    %lt3A_48 = vector.broadcast %get3A_2 : i32 to vector<256x256xi32>
    %lt3A_49 = arith.cmpi slt, %iota3A_47, %lt3A_48 : vector<256x256xi32>
    %jit3A_50 = arith.constant -1.000000e+09 : f32
    %broadcast_in_dim3A_51 = vector.broadcast %jit3A_50 : f32 to vector<256x256xf32>
    %select_n3A_52 = arith.select %lt3A_49, %mul3A_46, %broadcast_in_dim3A_51 : vector<256x256xi1>, vector<256x256xf32>
    %scan3A = arith.constant 0 : i32
    %scan3A_53 = arith.constant 15 : i32
    %scan3A_54 = arith.addi %scan3A, %scan3A_53 : i32
    %scan3A_55 = arith.constant 1 : i32
    %scan3A_56 = scf.for %scan3A_68 = %scan3A to %scan3A_54 step %scan3A_55 iter_args(%scan3A_69 = %select_n3A_52) -> (vector<256x256xf32>)  : i32 {
      %reduce_max3A_70 = arith.constant dense<0xFF800000> : vector<256xf32>
      %reduce_max3A_71 = vector.multi_reduction <maximumf>, %scan3A_69, %reduce_max3A_70 [1] : vector<256x256xf32> to vector<256xf32>
      %broadcast_in_dim3A_72 = vector.shape_cast %reduce_max3A_71 : vector<256xf32> to vector<256x1xf32>
      %eq3A = vector.broadcast %broadcast_in_dim3A_72 : vector<256x1xf32> to vector<256x256xf32>
      %eq3A_73 = arith.cmpf oeq, %scan3A_69, %eq3A : vector<256x256xf32>
      %jit3A_74 = arith.constant 0xFF800000 : f32
      %broadcast_in_dim3A_75 = vector.broadcast %jit3A_74 : f32 to vector<256x256xf32>
      %select_n3A_76 = arith.select %eq3A_73, %broadcast_in_dim3A_75, %scan3A_69 : vector<256x256xi1>, vector<256x256xf32>
      scf.yield %select_n3A_76 : vector<256x256xf32>
    }
    %reduce_max3A = arith.constant dense<0xFF800000> : vector<256xf32>
    %reduce_max3A_57 = vector.multi_reduction <maximumf>, %scan3A_56, %reduce_max3A [1] : vector<256x256xf32> to vector<256xf32>
    %broadcast_in_dim3A_58 = vector.shape_cast %reduce_max3A_57 : vector<256xf32> to vector<256x1xf32>
    %ge3A = vector.broadcast %broadcast_in_dim3A_58 : vector<256x1xf32> to vector<256x256xf32>
    %ge3A_59 = arith.cmpf oge, %select_n3A_52, %ge3A : vector<256x256xf32>
    %convert_element_type3A = arith.extui %ge3A_59 : vector<256x256xi1> to vector<256x256xi32>
    %convert_element_type3A_60 = arith.sitofp %convert_element_type3A : vector<256x256xi32> to vector<256x256xf32>
    %dot_general3A_61 = arith.constant dense<0.000000e+00> : vector<256x128xf32>
    %dot_general3A_62 = tpu.matmul %convert_element_type3A_60, %select_n3A, %dot_general3A_61 {dimension_numbers = #tpu.dot_dimension_numbers<[1], [0], [0], [1], [0, 0, 1, 1], [], []>, precision = #tpu.contract_precision<fp32>, transpose_lhs_hint = false} : vector<256x256xf32>, vector<256x128xf32>, vector<256x128xf32> -> vector<256x128xf32>
    %swap3A = arith.constant 0 : index
    %swap3A_63 = arith.constant 0 : index
    %swap3A_64 = arith.constant 0 : index
    %swap3A_65 = vector.load %arg6[%swap3A, %swap3A_63, %swap3A_64] : memref<1x256x128xf32, #tpu.memory_space<vmem>>, vector<1x256x128xf32>
    %swap3A_66 = vector.shape_cast %swap3A_65 : vector<1x256x128xf32> to vector<256x128xf32>
    %swap3A_67 = vector.shape_cast %dot_general3A_62 : vector<256x128xf32> to vector<1x256x128xf32>
    tpu.vector_store %arg6[%swap3A, %swap3A_63, %swap3A_64], %swap3A_67 {strides = array<i32>} : memref<1x256x128xf32, #tpu.memory_space<vmem>>, vector<1x256x128xf32>,
    return
  }
  func.func @transform_0(%arg0: i32, %arg1: memref<100xi32, #tpu.memory_space<smem>>, %arg2: memref<100xi32, #tpu.memory_space<smem>>) -> (i32, i32) {
    %c0_i32 = arith.constant 0 : i32
    %c0_i32_0 = arith.constant 0 : i32
    %c0_i32_1 = arith.constant 0 : i32
    return %c0_i32, %c0_i32_0 : i32, i32
  }
  func.func @transform_1(%arg0: i32, %arg1: memref<100xi32, #tpu.memory_space<smem>>, %arg2: memref<100xi32, #tpu.memory_space<smem>>) -> (i32, i32, i32) {
    %c0_i32 = arith.constant 0 : i32
    %c0_i32_0 = arith.constant 0 : i32
    %c0_i32_1 = arith.constant 0 : i32
    %c0_i32_2 = arith.constant 0 : i32
    return %c0_i32, %c0_i32_0, %c0_i32_1 : i32, i32, i32
  }
  func.func @transform_2(%arg0: i32, %arg1: memref<100xi32, #tpu.memory_space<smem>>, %arg2: memref<100xi32, #tpu.memory_space<smem>>) -> (i32, i32, i32) {
    %c0_i32 = arith.constant 0 : i32
    %c0_i32_0 = arith.constant 0 : i32
    %c0_i32_1 = arith.constant 0 : i32
    %c0_i32_2 = arith.constant 0 : i32
    return %c0_i32, %c0_i32_0, %c0_i32_1 : i32, i32, i32
  }
  func.func @transform_3(%arg0: i32, %arg1: memref<100xi32, #tpu.memory_space<smem>>, %arg2: memref<100xi32, #tpu.memory_space<smem>>) -> (i32, i32, i32) {
    %c0_i32 = arith.constant 0 : i32
    %c0_i32_0 = arith.constant 0 : i32
    %c0_i32_1 = arith.constant 0 : i32
    return %arg0, %c0_i32, %c0_i32_0 : i32, i32, i32
  }
}

module attributes {stable_mosaic.version = 14 : i64} {
  func.func @_gin_body(%arg0: i32, %arg1: memref<100xi32, #tpu.memory_space<smem>>, %arg2: memref<100xi32, #tpu.memory_space<smem>>, %arg3: memref<10496x128xf32, #tpu.memory_space<vmem>>, %arg4: memref<2x10496x128xf32, #tpu.memory_space<vmem>>, %arg5: memref<1x1xf32, #tpu.memory_space<vmem>>, %arg6: memref<1x256x128xf32, #tpu.memory_space<vmem>>, %arg7: memref<128x128xf32, #tpu.memory_space<vmem>>, %arg8: memref<1x128xf32, #tpu.memory_space<vmem>>, %arg9: memref<128x128xf32, #tpu.memory_space<vmem>>, %arg10: memref<1x128xf32, #tpu.memory_space<vmem>>, %arg11: memref<10496x128xf32, #tpu.memory_space<vmem>>, %arg12: memref<1x8x128xf32, #tpu.memory_space<vmem>>) attributes {dimension_semantics = [#tpu.dimension_semantics<arbitrary>], iteration_bounds = array<i64: 100>, scalar_prefetch = 2 : i64, scratch_operands = 0 : i64, tpu.core_type = #tpu.core_type<tc>, window_params = [{pipeline_mode = #tpu.pipeline_mode<synchronous>, transform_indices = @transform_0, window_bounds = array<i64: 10496, 128>}, {pipeline_mode = #tpu.pipeline_mode<synchronous>, transform_indices = @transform_1, window_bounds = array<i64: 2, 10496, 128>}, {pipeline_mode = #tpu.pipeline_mode<synchronous>, transform_indices = @transform_2, window_bounds = array<i64: 1, 1>}, {transform_indices = @transform_3, window_bounds = array<i64: 1, 256, 128>}, {pipeline_mode = #tpu.pipeline_mode<synchronous>, transform_indices = @transform_4, window_bounds = array<i64: 128, 128>}, {pipeline_mode = #tpu.pipeline_mode<synchronous>, transform_indices = @transform_5, window_bounds = array<i64: 1, 128>}, {pipeline_mode = #tpu.pipeline_mode<synchronous>, transform_indices = @transform_6, window_bounds = array<i64: 128, 128>}, {pipeline_mode = #tpu.pipeline_mode<synchronous>, transform_indices = @transform_7, window_bounds = array<i64: 1, 128>}, {pipeline_mode = #tpu.pipeline_mode<synchronous>, transform_indices = @transform_8, window_bounds = array<i64: 10496, 128>}, {transform_indices = @transform_9, window_bounds = array<i64: 1, 8, 128>}]} {
    %get3A = arith.index_cast %arg0 : i32 to index
    %get3A_0 = memref.load %arg1[%get3A] : memref<100xi32, #tpu.memory_space<smem>>
    %eq3A = arith.constant 0 : i32
    %eq3A_1 = arith.cmpi eq, %arg0, %eq3A : i32
    %convert_element_type3A = arith.extui %eq3A_1 : i1 to i32
    %cond3A = arith.constant 0 : i32
    %cond3A_2 = arith.cmpi ne, %convert_element_type3A, %cond3A : i32
    scf.if %cond3A_2 {
      %broadcast_in_dim3A = arith.constant 0.000000e+00 : f32
      %broadcast_in_dim3A_56 = vector.broadcast %broadcast_in_dim3A : f32 to vector<10496x128xf32>
      %swap3A_57 = arith.constant 0 : index
      %swap3A_58 = arith.constant 0 : index
      %swap3A_59 = vector.load %arg11[%swap3A_57, %swap3A_58] : memref<10496x128xf32, #tpu.memory_space<vmem>>, vector<10496x128xf32>
      tpu.vector_store %arg11[%swap3A_57, %swap3A_58], %broadcast_in_dim3A_56 {strides = array<i32>} : memref<10496x128xf32, #tpu.memory_space<vmem>>, vector<10496x128xf32>,
    } else {
    }
    %get3A_3 = arith.index_cast %get3A_0 : i32 to index
    %get3A_4 = arith.constant 0 : index
    %get3A_5 = vector.load %arg3[%get3A_3, %get3A_4] : memref<10496x128xf32, #tpu.memory_space<vmem>>, vector<256x128xf32>
    %get3A_6 = arith.constant 0 : index
    %get3A_7 = arith.constant 0 : index
    %get3A_8 = vector.load %arg5[%get3A_6, %get3A_7] : memref<1x1xf32, #tpu.memory_space<vmem>>, vector<1x1xf32>
    %get3A_9 = vector.extract %get3A_8[0, 0] : f32 from vector<1x1xf32>
    %add3A = arith.constant 1.000000e+00 : f32
    %add3A_10 = arith.addf %add3A, %get3A_9 : f32
    %mul3A = vector.broadcast %add3A_10 : f32 to vector<256x128xf32>
    %mul3A_11 = arith.mulf %mul3A, %get3A_5 : vector<256x128xf32>
    %get3A_12 = arith.constant 0 : index
    %get3A_13 = arith.constant 0 : index
    %get3A_14 = arith.constant 0 : index
    %get3A_15 = vector.load %arg6[%get3A_12, %get3A_13, %get3A_14] : memref<1x256x128xf32, #tpu.memory_space<vmem>>, vector<1x256x128xf32>
    %get3A_16 = vector.shape_cast %get3A_15 : vector<1x256x128xf32> to vector<256x128xf32>
    %add3A_17 = arith.addf %mul3A_11, %get3A_16 : vector<256x128xf32>
    %get3A_18 = arith.constant 0 : index
    %get3A_19 = arith.index_cast %get3A_0 : i32 to index
    %get3A_20 = arith.constant 0 : index
    %get3A_21 = vector.load %arg4[%get3A_18, %get3A_19, %get3A_20] : memref<2x10496x128xf32, #tpu.memory_space<vmem>>, vector<1x256x128xf32>
    %get3A_22 = vector.shape_cast %get3A_21 : vector<1x256x128xf32> to vector<256x128xf32>
    %get3A_23 = arith.constant 1 : index
    %get3A_24 = arith.index_cast %get3A_0 : i32 to index
    %get3A_25 = arith.constant 0 : index
    %get3A_26 = vector.load %arg4[%get3A_23, %get3A_24, %get3A_25] : memref<2x10496x128xf32, #tpu.memory_space<vmem>>, vector<1x256x128xf32>
    %get3A_27 = vector.shape_cast %get3A_26 : vector<1x256x128xf32> to vector<256x128xf32>
    %add3A_28 = arith.addf %get3A_22, %get3A_27 : vector<256x128xf32>
    %add3A_29 = arith.addf %add3A_17, %add3A_28 : vector<256x128xf32>
    %get3A_30 = arith.constant 0 : index
    %get3A_31 = arith.constant 0 : index
    %get3A_32 = vector.load %arg7[%get3A_30, %get3A_31] : memref<128x128xf32, #tpu.memory_space<vmem>>, vector<128x128xf32>
    %dot_general3A = arith.constant dense<0.000000e+00> : vector<256x128xf32>
    %dot_general3A_33 = tpu.matmul %add3A_29, %get3A_32, %dot_general3A {dimension_numbers = #tpu.dot_dimension_numbers<[1], [0], [0], [1], [0, 0, 1, 1], [], []>, transpose_lhs_hint = false} : vector<256x128xf32>, vector<128x128xf32>, vector<256x128xf32> -> vector<256x128xf32>
    %get3A_34 = arith.constant 0 : index
    %get3A_35 = arith.constant 0 : index
    %get3A_36 = vector.load %arg8[%get3A_34, %get3A_35] : memref<1x128xf32, #tpu.memory_space<vmem>>, vector<1x128xf32>
    %add3A_37 = vector.broadcast %get3A_36 : vector<1x128xf32> to vector<256x128xf32>
    %add3A_38 = arith.addf %dot_general3A_33, %add3A_37 : vector<256x128xf32>
    %max3A = arith.constant 0.000000e+00 : f32
    %max3A_39 = vector.broadcast %max3A : f32 to vector<256x128xf32>
    %max3A_40 = arith.maximumf %add3A_38, %max3A_39 : vector<256x128xf32>
    %get3A_41 = arith.constant 0 : index
    %get3A_42 = arith.constant 0 : index
    %get3A_43 = vector.load %arg9[%get3A_41, %get3A_42] : memref<128x128xf32, #tpu.memory_space<vmem>>, vector<128x128xf32>
    %dot_general3A_44 = arith.constant dense<0.000000e+00> : vector<256x128xf32>
    %dot_general3A_45 = tpu.matmul %max3A_40, %get3A_43, %dot_general3A_44 {dimension_numbers = #tpu.dot_dimension_numbers<[1], [0], [0], [1], [0, 0, 1, 1], [], []>, transpose_lhs_hint = false} : vector<256x128xf32>, vector<128x128xf32>, vector<256x128xf32> -> vector<256x128xf32>
    %get3A_46 = arith.constant 0 : index
    %get3A_47 = arith.constant 0 : index
    %get3A_48 = vector.load %arg10[%get3A_46, %get3A_47] : memref<1x128xf32, #tpu.memory_space<vmem>>, vector<1x128xf32>
    %add3A_49 = vector.broadcast %get3A_48 : vector<1x128xf32> to vector<256x128xf32>
    %add3A_50 = arith.addf %dot_general3A_45, %add3A_49 : vector<256x128xf32>
    %max3A_51 = arith.constant 0.000000e+00 : f32
    %max3A_52 = vector.broadcast %max3A_51 : f32 to vector<256x128xf32>
    %max3A_53 = arith.maximumf %add3A_50, %max3A_52 : vector<256x128xf32>
    %swap3A = arith.index_cast %get3A_0 : i32 to index
    %swap3A_54 = arith.constant 0 : index
    %swap3A_55 = vector.load %arg11[%swap3A, %swap3A_54] : memref<10496x128xf32, #tpu.memory_space<vmem>>, vector<256x128xf32>
    tpu.vector_store %arg11[%swap3A, %swap3A_54], %max3A_53 {strides = array<i32>} : memref<10496x128xf32, #tpu.memory_space<vmem>>, vector<256x128xf32>,
    return
  }
  func.func @transform_0(%arg0: i32, %arg1: memref<100xi32, #tpu.memory_space<smem>>, %arg2: memref<100xi32, #tpu.memory_space<smem>>) -> (i32, i32) {
    %c0_i32 = arith.constant 0 : i32
    %c0_i32_0 = arith.constant 0 : i32
    %c0_i32_1 = arith.constant 0 : i32
    return %c0_i32, %c0_i32_0 : i32, i32
  }
  func.func @transform_1(%arg0: i32, %arg1: memref<100xi32, #tpu.memory_space<smem>>, %arg2: memref<100xi32, #tpu.memory_space<smem>>) -> (i32, i32, i32) {
    %c0_i32 = arith.constant 0 : i32
    %c0_i32_0 = arith.constant 0 : i32
    %c0_i32_1 = arith.constant 0 : i32
    %c0_i32_2 = arith.constant 0 : i32
    return %c0_i32, %c0_i32_0, %c0_i32_1 : i32, i32, i32
  }
  func.func @transform_2(%arg0: i32, %arg1: memref<100xi32, #tpu.memory_space<smem>>, %arg2: memref<100xi32, #tpu.memory_space<smem>>) -> (i32, i32) {
    %c0_i32 = arith.constant 0 : i32
    %c0_i32_0 = arith.constant 0 : i32
    %c0_i32_1 = arith.constant 0 : i32
    return %c0_i32, %c0_i32_0 : i32, i32
  }
  func.func @transform_3(%arg0: i32, %arg1: memref<100xi32, #tpu.memory_space<smem>>, %arg2: memref<100xi32, #tpu.memory_space<smem>>) -> (i32, i32, i32) {
    %c0_i32 = arith.constant 0 : i32
    %c0_i32_0 = arith.constant 0 : i32
    %c0_i32_1 = arith.constant 0 : i32
    return %arg0, %c0_i32, %c0_i32_0 : i32, i32, i32
  }
  func.func @transform_4(%arg0: i32, %arg1: memref<100xi32, #tpu.memory_space<smem>>, %arg2: memref<100xi32, #tpu.memory_space<smem>>) -> (i32, i32) {
    %c0_i32 = arith.constant 0 : i32
    %c0_i32_0 = arith.constant 0 : i32
    %c0_i32_1 = arith.constant 0 : i32
    return %c0_i32, %c0_i32_0 : i32, i32
  }
  func.func @transform_5(%arg0: i32, %arg1: memref<100xi32, #tpu.memory_space<smem>>, %arg2: memref<100xi32, #tpu.memory_space<smem>>) -> (i32, i32) {
    %c0_i32 = arith.constant 0 : i32
    %c0_i32_0 = arith.constant 0 : i32
    %c0_i32_1 = arith.constant 0 : i32
    return %c0_i32, %c0_i32_0 : i32, i32
  }
  func.func @transform_6(%arg0: i32, %arg1: memref<100xi32, #tpu.memory_space<smem>>, %arg2: memref<100xi32, #tpu.memory_space<smem>>) -> (i32, i32) {
    %c0_i32 = arith.constant 0 : i32
    %c0_i32_0 = arith.constant 0 : i32
    %c0_i32_1 = arith.constant 0 : i32
    return %c0_i32, %c0_i32_0 : i32, i32
  }
  func.func @transform_7(%arg0: i32, %arg1: memref<100xi32, #tpu.memory_space<smem>>, %arg2: memref<100xi32, #tpu.memory_space<smem>>) -> (i32, i32) {
    %c0_i32 = arith.constant 0 : i32
    %c0_i32_0 = arith.constant 0 : i32
    %c0_i32_1 = arith.constant 0 : i32
    return %c0_i32, %c0_i32_0 : i32, i32
  }
  func.func @transform_8(%arg0: i32, %arg1: memref<100xi32, #tpu.memory_space<smem>>, %arg2: memref<100xi32, #tpu.memory_space<smem>>) -> (i32, i32) {
    %c0_i32 = arith.constant 0 : i32
    %c0_i32_0 = arith.constant 0 : i32
    %c0_i32_1 = arith.constant 0 : i32
    return %c0_i32, %c0_i32_0 : i32, i32
  }
  func.func @transform_9(%arg0: i32, %arg1: memref<100xi32, #tpu.memory_space<smem>>, %arg2: memref<100xi32, #tpu.memory_space<smem>>) -> (i32, i32, i32) {
    %c0_i32 = arith.constant 0 : i32
    %c0_i32_0 = arith.constant 0 : i32
    %c0_i32_1 = arith.constant 0 : i32
    return %arg0, %c0_i32, %c0_i32_0 : i32, i32, i32
  }
}

module attributes {stable_mosaic.version = 14 : i64} {
  func.func @_gin_body(%arg0: i32, %arg1: memref<100xi32, #tpu.memory_space<smem>>, %arg2: memref<100xi32, #tpu.memory_space<smem>>, %arg3: memref<10496x128xf32, #tpu.memory_space<vmem>>, %arg4: memref<2x10496x128xf32, #tpu.memory_space<vmem>>, %arg5: memref<1x1xf32, #tpu.memory_space<vmem>>, %arg6: memref<1x256x128xf32, #tpu.memory_space<vmem>>, %arg7: memref<128x128xf32, #tpu.memory_space<vmem>>, %arg8: memref<1x128xf32, #tpu.memory_space<vmem>>, %arg9: memref<128x128xf32, #tpu.memory_space<vmem>>, %arg10: memref<1x128xf32, #tpu.memory_space<vmem>>, %arg11: memref<10496x128xf32, #tpu.memory_space<vmem>>, %arg12: memref<1x8x128xf32, #tpu.memory_space<vmem>>) attributes {dimension_semantics = [#tpu.dimension_semantics<arbitrary>], iteration_bounds = array<i64: 100>, scalar_prefetch = 2 : i64, scratch_operands = 0 : i64, tpu.core_type = #tpu.core_type<tc>, window_params = [{pipeline_mode = #tpu.pipeline_mode<synchronous>, transform_indices = @transform_0, window_bounds = array<i64: 10496, 128>}, {pipeline_mode = #tpu.pipeline_mode<synchronous>, transform_indices = @transform_1, window_bounds = array<i64: 2, 10496, 128>}, {pipeline_mode = #tpu.pipeline_mode<synchronous>, transform_indices = @transform_2, window_bounds = array<i64: 1, 1>}, {transform_indices = @transform_3, window_bounds = array<i64: 1, 256, 128>}, {pipeline_mode = #tpu.pipeline_mode<synchronous>, transform_indices = @transform_4, window_bounds = array<i64: 128, 128>}, {pipeline_mode = #tpu.pipeline_mode<synchronous>, transform_indices = @transform_5, window_bounds = array<i64: 1, 128>}, {pipeline_mode = #tpu.pipeline_mode<synchronous>, transform_indices = @transform_6, window_bounds = array<i64: 128, 128>}, {pipeline_mode = #tpu.pipeline_mode<synchronous>, transform_indices = @transform_7, window_bounds = array<i64: 1, 128>}, {pipeline_mode = #tpu.pipeline_mode<synchronous>, transform_indices = @transform_8, window_bounds = array<i64: 10496, 128>}, {transform_indices = @transform_9, window_bounds = array<i64: 1, 8, 128>}]} {
    %get3A = arith.index_cast %arg0 : i32 to index
    %get3A_0 = memref.load %arg1[%get3A] : memref<100xi32, #tpu.memory_space<smem>>
    %get3A_1 = arith.index_cast %arg0 : i32 to index
    %get3A_2 = memref.load %arg2[%get3A_1] : memref<100xi32, #tpu.memory_space<smem>>
    %eq3A = arith.constant 0 : i32
    %eq3A_3 = arith.cmpi eq, %arg0, %eq3A : i32
    %convert_element_type3A = arith.extui %eq3A_3 : i1 to i32
    %cond3A = arith.constant 0 : i32
    %cond3A_4 = arith.cmpi ne, %convert_element_type3A, %cond3A : i32
    scf.if %cond3A_4 {
      %broadcast_in_dim3A_75 = arith.constant 0.000000e+00 : f32
      %broadcast_in_dim3A_76 = vector.broadcast %broadcast_in_dim3A_75 : f32 to vector<10496x128xf32>
      %swap3A_77 = arith.constant 0 : index
      %swap3A_78 = arith.constant 0 : index
      %swap3A_79 = vector.load %arg11[%swap3A_77, %swap3A_78] : memref<10496x128xf32, #tpu.memory_space<vmem>>, vector<10496x128xf32>
      tpu.vector_store %arg11[%swap3A_77, %swap3A_78], %broadcast_in_dim3A_76 {strides = array<i32>} : memref<10496x128xf32, #tpu.memory_space<vmem>>, vector<10496x128xf32>,
    } else {
    }
    %get3A_5 = arith.index_cast %get3A_0 : i32 to index
    %get3A_6 = arith.constant 0 : index
    %get3A_7 = vector.load %arg3[%get3A_5, %get3A_6] : memref<10496x128xf32, #tpu.memory_space<vmem>>, vector<256x128xf32>
    %get3A_8 = arith.constant 0 : index
    %get3A_9 = arith.constant 0 : index
    %get3A_10 = vector.load %arg5[%get3A_8, %get3A_9] : memref<1x1xf32, #tpu.memory_space<vmem>>, vector<1x1xf32>
    %get3A_11 = vector.extract %get3A_10[0, 0] : f32 from vector<1x1xf32>
    %add3A = arith.constant 1.000000e+00 : f32
    %add3A_12 = arith.addf %add3A, %get3A_11 : f32
    %mul3A = vector.broadcast %add3A_12 : f32 to vector<256x128xf32>
    %mul3A_13 = arith.mulf %mul3A, %get3A_7 : vector<256x128xf32>
    %get3A_14 = arith.constant 0 : index
    %get3A_15 = arith.constant 0 : index
    %get3A_16 = arith.constant 0 : index
    %get3A_17 = vector.load %arg6[%get3A_14, %get3A_15, %get3A_16] : memref<1x256x128xf32, #tpu.memory_space<vmem>>, vector<1x256x128xf32>
    %get3A_18 = vector.shape_cast %get3A_17 : vector<1x256x128xf32> to vector<256x128xf32>
    %add3A_19 = arith.addf %mul3A_13, %get3A_18 : vector<256x128xf32>
    %get3A_20 = arith.constant 0 : index
    %get3A_21 = arith.index_cast %get3A_0 : i32 to index
    %get3A_22 = arith.constant 0 : index
    %get3A_23 = vector.load %arg4[%get3A_20, %get3A_21, %get3A_22] : memref<2x10496x128xf32, #tpu.memory_space<vmem>>, vector<1x256x128xf32>
    %get3A_24 = vector.shape_cast %get3A_23 : vector<1x256x128xf32> to vector<256x128xf32>
    %get3A_25 = arith.constant 1 : index
    %get3A_26 = arith.index_cast %get3A_0 : i32 to index
    %get3A_27 = arith.constant 0 : index
    %get3A_28 = vector.load %arg4[%get3A_25, %get3A_26, %get3A_27] : memref<2x10496x128xf32, #tpu.memory_space<vmem>>, vector<1x256x128xf32>
    %get3A_29 = vector.shape_cast %get3A_28 : vector<1x256x128xf32> to vector<256x128xf32>
    %add3A_30 = arith.addf %get3A_24, %get3A_29 : vector<256x128xf32>
    %add3A_31 = arith.addf %add3A_19, %add3A_30 : vector<256x128xf32>
    %get3A_32 = arith.constant 0 : index
    %get3A_33 = arith.constant 0 : index
    %get3A_34 = vector.load %arg7[%get3A_32, %get3A_33] : memref<128x128xf32, #tpu.memory_space<vmem>>, vector<128x128xf32>
    %dot_general3A = arith.constant dense<0.000000e+00> : vector<256x128xf32>
    %dot_general3A_35 = tpu.matmul %add3A_31, %get3A_34, %dot_general3A {dimension_numbers = #tpu.dot_dimension_numbers<[1], [0], [0], [1], [0, 0, 1, 1], [], []>, transpose_lhs_hint = false} : vector<256x128xf32>, vector<128x128xf32>, vector<256x128xf32> -> vector<256x128xf32>
    %get3A_36 = arith.constant 0 : index
    %get3A_37 = arith.constant 0 : index
    %get3A_38 = vector.load %arg8[%get3A_36, %get3A_37] : memref<1x128xf32, #tpu.memory_space<vmem>>, vector<1x128xf32>
    %add3A_39 = vector.broadcast %get3A_38 : vector<1x128xf32> to vector<256x128xf32>
    %add3A_40 = arith.addf %dot_general3A_35, %add3A_39 : vector<256x128xf32>
    %max3A = arith.constant 0.000000e+00 : f32
    %max3A_41 = vector.broadcast %max3A : f32 to vector<256x128xf32>
    %max3A_42 = arith.maximumf %add3A_40, %max3A_41 : vector<256x128xf32>
    %get3A_43 = arith.constant 0 : index
    %get3A_44 = arith.constant 0 : index
    %get3A_45 = vector.load %arg9[%get3A_43, %get3A_44] : memref<128x128xf32, #tpu.memory_space<vmem>>, vector<128x128xf32>
    %dot_general3A_46 = arith.constant dense<0.000000e+00> : vector<256x128xf32>
    %dot_general3A_47 = tpu.matmul %max3A_42, %get3A_45, %dot_general3A_46 {dimension_numbers = #tpu.dot_dimension_numbers<[1], [0], [0], [1], [0, 0, 1, 1], [], []>, transpose_lhs_hint = false} : vector<256x128xf32>, vector<128x128xf32>, vector<256x128xf32> -> vector<256x128xf32>
    %get3A_48 = arith.constant 0 : index
    %get3A_49 = arith.constant 0 : index
    %get3A_50 = vector.load %arg10[%get3A_48, %get3A_49] : memref<1x128xf32, #tpu.memory_space<vmem>>, vector<1x128xf32>
    %add3A_51 = vector.broadcast %get3A_50 : vector<1x128xf32> to vector<256x128xf32>
    %add3A_52 = arith.addf %dot_general3A_47, %add3A_51 : vector<256x128xf32>
    %max3A_53 = arith.constant 0.000000e+00 : f32
    %max3A_54 = vector.broadcast %max3A_53 : f32 to vector<256x128xf32>
    %max3A_55 = arith.maximumf %add3A_52, %max3A_54 : vector<256x128xf32>
    %swap3A = arith.index_cast %get3A_0 : i32 to index
    %swap3A_56 = arith.constant 0 : index
    %swap3A_57 = vector.load %arg11[%swap3A, %swap3A_56] : memref<10496x128xf32, #tpu.memory_space<vmem>>, vector<256x128xf32>
    tpu.vector_store %arg11[%swap3A, %swap3A_56], %max3A_55 {strides = array<i32>} : memref<10496x128xf32, #tpu.memory_space<vmem>>, vector<256x128xf32>,
    %iota3A = tpu.iota {dimensions = array<i32: 0>} : vector<256x1xi32>
    %lt3A = vector.broadcast %get3A_2 : i32 to vector<256x1xi32>
    %lt3A_58 = arith.cmpi slt, %iota3A, %lt3A : vector<256x1xi32>
    %jit3A = arith.constant 0.000000e+00 : f32
    %broadcast_in_dim3A = vector.shape_cast %lt3A_58 : vector<256x1xi1> to vector<256x1xi1>
    %broadcast_in_dim3A_59 = vector.broadcast %broadcast_in_dim3A : vector<256x1xi1> to vector<256x128xi1>
    %broadcast_in_dim3A_60 = vector.broadcast %jit3A : f32 to vector<256x128xf32>
    %select_n3A = arith.select %broadcast_in_dim3A_59, %max3A_55, %broadcast_in_dim3A_60 : vector<256x128xi1>, vector<256x128xf32>
    %reduce_sum3A = arith.constant dense<0.000000e+00> : vector<128xf32>
    %reduce_sum3A_61 = vector.multi_reduction <add>, %select_n3A, %reduce_sum3A [0] : vector<256x128xf32> to vector<128xf32>
    %max3A_62 = arith.constant 1 : i32
    %max3A_63 = arith.maxsi %get3A_2, %max3A_62 : i32
    %convert_element_type3A_64 = arith.sitofp %max3A_63 : i32 to f32
    %div3A = vector.broadcast %convert_element_type3A_64 : f32 to vector<128xf32>
    %div3A_65 = arith.divf %reduce_sum3A_61, %div3A : vector<128xf32>
    %broadcast_in_dim3A_66 = vector.shape_cast %div3A_65 : vector<128xf32> to vector<1x128xf32>
    %broadcast_in_dim3A_67 = vector.shape_cast %broadcast_in_dim3A_66 : vector<1x128xf32> to vector<1x128xf32>
    %broadcast_in_dim3A_68 = vector.broadcast %broadcast_in_dim3A_67 : vector<1x128xf32> to vector<8x128xf32>
    %swap3A_69 = arith.constant 0 : index
    %swap3A_70 = arith.constant 0 : index
    %swap3A_71 = arith.constant 0 : index
    %swap3A_72 = vector.load %arg12[%swap3A_69, %swap3A_70, %swap3A_71] : memref<1x8x128xf32, #tpu.memory_space<vmem>>, vector<1x8x128xf32>
    %swap3A_73 = vector.shape_cast %swap3A_72 : vector<1x8x128xf32> to vector<8x128xf32>
    %swap3A_74 = vector.shape_cast %broadcast_in_dim3A_68 : vector<8x128xf32> to vector<1x8x128xf32>
    tpu.vector_store %arg12[%swap3A_69, %swap3A_70, %swap3A_71], %swap3A_74 {strides = array<i32>} : memref<1x8x128xf32, #tpu.memory_space<vmem>>, vector<1x8x128xf32>,
    return
  }
  func.func @transform_0(%arg0: i32, %arg1: memref<100xi32, #tpu.memory_space<smem>>, %arg2: memref<100xi32, #tpu.memory_space<smem>>) -> (i32, i32) {
    %c0_i32 = arith.constant 0 : i32
    %c0_i32_0 = arith.constant 0 : i32
    %c0_i32_1 = arith.constant 0 : i32
    return %c0_i32, %c0_i32_0 : i32, i32
  }
  func.func @transform_1(%arg0: i32, %arg1: memref<100xi32, #tpu.memory_space<smem>>, %arg2: memref<100xi32, #tpu.memory_space<smem>>) -> (i32, i32, i32) {
    %c0_i32 = arith.constant 0 : i32
    %c0_i32_0 = arith.constant 0 : i32
    %c0_i32_1 = arith.constant 0 : i32
    %c0_i32_2 = arith.constant 0 : i32
    return %c0_i32, %c0_i32_0, %c0_i32_1 : i32, i32, i32
  }
  func.func @transform_2(%arg0: i32, %arg1: memref<100xi32, #tpu.memory_space<smem>>, %arg2: memref<100xi32, #tpu.memory_space<smem>>) -> (i32, i32) {
    %c0_i32 = arith.constant 0 : i32
    %c0_i32_0 = arith.constant 0 : i32
    %c0_i32_1 = arith.constant 0 : i32
    return %c0_i32, %c0_i32_0 : i32, i32
  }
  func.func @transform_3(%arg0: i32, %arg1: memref<100xi32, #tpu.memory_space<smem>>, %arg2: memref<100xi32, #tpu.memory_space<smem>>) -> (i32, i32, i32) {
    %c0_i32 = arith.constant 0 : i32
    %c0_i32_0 = arith.constant 0 : i32
    %c0_i32_1 = arith.constant 0 : i32
    return %arg0, %c0_i32, %c0_i32_0 : i32, i32, i32
  }
  func.func @transform_4(%arg0: i32, %arg1: memref<100xi32, #tpu.memory_space<smem>>, %arg2: memref<100xi32, #tpu.memory_space<smem>>) -> (i32, i32) {
    %c0_i32 = arith.constant 0 : i32
    %c0_i32_0 = arith.constant 0 : i32
    %c0_i32_1 = arith.constant 0 : i32
    return %c0_i32, %c0_i32_0 : i32, i32
  }
  func.func @transform_5(%arg0: i32, %arg1: memref<100xi32, #tpu.memory_space<smem>>, %arg2: memref<100xi32, #tpu.memory_space<smem>>) -> (i32, i32) {
    %c0_i32 = arith.constant 0 : i32
    %c0_i32_0 = arith.constant 0 : i32
    %c0_i32_1 = arith.constant 0 : i32
    return %c0_i32, %c0_i32_0 : i32, i32
  }
  func.func @transform_6(%arg0: i32, %arg1: memref<100xi32, #tpu.memory_space<smem>>, %arg2: memref<100xi32, #tpu.memory_space<smem>>) -> (i32, i32) {
    %c0_i32 = arith.constant 0 : i32
    %c0_i32_0 = arith.constant 0 : i32
    %c0_i32_1 = arith.constant 0 : i32
    return %c0_i32, %c0_i32_0 : i32, i32
  }
  func.func @transform_7(%arg0: i32, %arg1: memref<100xi32, #tpu.memory_space<smem>>, %arg2: memref<100xi32, #tpu.memory_space<smem>>) -> (i32, i32) {
    %c0_i32 = arith.constant 0 : i32
    %c0_i32_0 = arith.constant 0 : i32
    %c0_i32_1 = arith.constant 0 : i32
    return %c0_i32, %c0_i32_0 : i32, i32
  }
  func.func @transform_8(%arg0: i32, %arg1: memref<100xi32, #tpu.memory_space<smem>>, %arg2: memref<100xi32, #tpu.memory_space<smem>>) -> (i32, i32) {
    %c0_i32 = arith.constant 0 : i32
    %c0_i32_0 = arith.constant 0 : i32
    %c0_i32_1 = arith.constant 0 : i32
    return %c0_i32, %c0_i32_0 : i32, i32
  }
  func.func @transform_9(%arg0: i32, %arg1: memref<100xi32, #tpu.memory_space<smem>>, %arg2: memref<100xi32, #tpu.memory_space<smem>>) -> (i32, i32, i32) {
    %c0_i32 = arith.constant 0 : i32
    %c0_i32_0 = arith.constant 0 : i32
    %c0_i32_1 = arith.constant 0 : i32
    return %arg0, %c0_i32, %c0_i32_0 : i32, i32, i32
  }
}

module attributes {stable_mosaic.version = 14 : i64} {
  func.func @_head_body(%arg0: i32, %arg1: memref<100x8x128xf32, #tpu.memory_space<vmem>>, %arg2: memref<128x128xf32, #tpu.memory_space<vmem>>, %arg3: memref<1x128xf32, #tpu.memory_space<vmem>>, %arg4: memref<128x128xf32, #tpu.memory_space<vmem>>, %arg5: memref<1x128xf32, #tpu.memory_space<vmem>>, %arg6: memref<100x128xf32, #tpu.memory_space<vmem>>) attributes {dimension_semantics = [#tpu.dimension_semantics<arbitrary>], iteration_bounds = array<i64: 1>, scalar_prefetch = 0 : i64, scratch_operands = 0 : i64, tpu.core_type = #tpu.core_type<tc>, window_params = [{pipeline_mode = #tpu.pipeline_mode<synchronous>, transform_indices = @transform_0, window_bounds = array<i64: 100, 8, 128>}, {pipeline_mode = #tpu.pipeline_mode<synchronous>, transform_indices = @transform_1, window_bounds = array<i64: 128, 128>}, {pipeline_mode = #tpu.pipeline_mode<synchronous>, transform_indices = @transform_2, window_bounds = array<i64: 1, 128>}, {pipeline_mode = #tpu.pipeline_mode<synchronous>, transform_indices = @transform_3, window_bounds = array<i64: 128, 128>}, {pipeline_mode = #tpu.pipeline_mode<synchronous>, transform_indices = @transform_4, window_bounds = array<i64: 1, 128>}, {pipeline_mode = #tpu.pipeline_mode<synchronous>, transform_indices = @transform_5, window_bounds = array<i64: 100, 128>}]} {
    %get3A = arith.constant 0 : index
    %get3A_0 = arith.constant 0 : index
    %get3A_1 = arith.constant 0 : index
    %get3A_2 = vector.load %arg1[%get3A, %get3A_0, %get3A_1] : memref<100x8x128xf32, #tpu.memory_space<vmem>>, vector<100x1x128xf32>
    %get3A_3 = vector.shape_cast %get3A_2 : vector<100x1x128xf32> to vector<100x128xf32>
    %get3A_4 = arith.constant 0 : index
    %get3A_5 = arith.constant 0 : index
    %get3A_6 = vector.load %arg2[%get3A_4, %get3A_5] : memref<128x128xf32, #tpu.memory_space<vmem>>, vector<128x128xf32>
    %dot_general3A = arith.constant dense<0.000000e+00> : vector<100x128xf32>
    %dot_general3A_7 = tpu.matmul %get3A_3, %get3A_6, %dot_general3A {dimension_numbers = #tpu.dot_dimension_numbers<[1], [0], [0], [1], [0, 0, 1, 1], [], []>, transpose_lhs_hint = false} : vector<100x128xf32>, vector<128x128xf32>, vector<100x128xf32> -> vector<100x128xf32>
    %get3A_8 = arith.constant 0 : index
    %get3A_9 = arith.constant 0 : index
    %get3A_10 = vector.load %arg3[%get3A_8, %get3A_9] : memref<1x128xf32, #tpu.memory_space<vmem>>, vector<1x128xf32>
    %add3A = vector.broadcast %get3A_10 : vector<1x128xf32> to vector<100x128xf32>
    %add3A_11 = arith.addf %dot_general3A_7, %add3A : vector<100x128xf32>
    %max3A = arith.constant 0.000000e+00 : f32
    %max3A_12 = vector.broadcast %max3A : f32 to vector<100x128xf32>
    %max3A_13 = arith.maximumf %add3A_11, %max3A_12 : vector<100x128xf32>
    %get3A_14 = arith.constant 0 : index
    %get3A_15 = arith.constant 0 : index
    %get3A_16 = vector.load %arg4[%get3A_14, %get3A_15] : memref<128x128xf32, #tpu.memory_space<vmem>>, vector<128x128xf32>
    %dot_general3A_17 = arith.constant dense<0.000000e+00> : vector<100x128xf32>
    %dot_general3A_18 = tpu.matmul %max3A_13, %get3A_16, %dot_general3A_17 {dimension_numbers = #tpu.dot_dimension_numbers<[1], [0], [0], [1], [0, 0, 1, 1], [], []>, transpose_lhs_hint = false} : vector<100x128xf32>, vector<128x128xf32>, vector<100x128xf32> -> vector<100x128xf32>
    %get3A_19 = arith.constant 0 : index
    %get3A_20 = arith.constant 0 : index
    %get3A_21 = vector.load %arg5[%get3A_19, %get3A_20] : memref<1x128xf32, #tpu.memory_space<vmem>>, vector<1x128xf32>
    %add3A_22 = vector.broadcast %get3A_21 : vector<1x128xf32> to vector<100x128xf32>
    %add3A_23 = arith.addf %dot_general3A_18, %add3A_22 : vector<100x128xf32>
    %swap3A = arith.constant 0 : index
    %swap3A_24 = arith.constant 0 : index
    %swap3A_25 = vector.load %arg6[%swap3A, %swap3A_24] : memref<100x128xf32, #tpu.memory_space<vmem>>, vector<100x128xf32>
    tpu.vector_store %arg6[%swap3A, %swap3A_24], %add3A_23 {strides = array<i32>} : memref<100x128xf32, #tpu.memory_space<vmem>>, vector<100x128xf32>,
    return
  }
  func.func @transform_0(%arg0: i32) -> (i32, i32, i32) {
    %c0_i32 = arith.constant 0 : i32
    %c0_i32_0 = arith.constant 0 : i32
    %c0_i32_1 = arith.constant 0 : i32
    %c0_i32_2 = arith.constant 0 : i32
    return %c0_i32, %c0_i32_0, %c0_i32_1 : i32, i32, i32
  }
  func.func @transform_1(%arg0: i32) -> (i32, i32) {
    %c0_i32 = arith.constant 0 : i32
    %c0_i32_0 = arith.constant 0 : i32
    %c0_i32_1 = arith.constant 0 : i32
    return %c0_i32, %c0_i32_0 : i32, i32
  }
  func.func @transform_2(%arg0: i32) -> (i32, i32) {
    %c0_i32 = arith.constant 0 : i32
    %c0_i32_0 = arith.constant 0 : i32
    %c0_i32_1 = arith.constant 0 : i32
    return %c0_i32, %c0_i32_0 : i32, i32
  }
  func.func @transform_3(%arg0: i32) -> (i32, i32) {
    %c0_i32 = arith.constant 0 : i32
    %c0_i32_0 = arith.constant 0 : i32
    %c0_i32_1 = arith.constant 0 : i32
    return %c0_i32, %c0_i32_0 : i32, i32
  }
  func.func @transform_4(%arg0: i32) -> (i32, i32) {
    %c0_i32 = arith.constant 0 : i32
    %c0_i32_0 = arith.constant 0 : i32
    %c0_i32_1 = arith.constant 0 : i32
    return %c0_i32, %c0_i32_0 : i32, i32
  }
  func.func @transform_5(%arg0: i32) -> (i32, i32) {
    %c0_i32 = arith.constant 0 : i32
    %c0_i32_0 = arith.constant 0 : i32
    %c0_i32_1 = arith.constant 0 : i32
    return %c0_i32, %c0_i32_0 : i32, i32
  }
}

</mosaic_0001>

<sc_bundles>
// kernel: kernel.14.cloned.1.call-start
scs
__scs_entry_jumppad:
0x0: {  	(pc) =	sbr.rel $0x88, $3  }
0x1: {  	(tag) =	ssettag $0x0;
	lr =	simm.s32 $0x1  }
0x2: {  	[smem:$0x3F8B] =	sst lr;
	_ =	strace $0xD0000000  }
0x3: {  	_ = 	snop  }
0x4: {  	_ = 	snop  }
0x5: {  	_ = 	snop  }
0x6: {  	_ = 	snop  }
0x7: {  	_ = 	snop  }
__scs_overlays_trampoline_lowered:
0x8: {  	[smem:$0x3F9A] =	sst s0  }
0x9: {  	[smem:$0x3F9B] =	sst s1  }
0xa: {  	[smem:$0x3F9C] =	sst s2  }
0xb: {  	[smem:$0x3F9D] =	sst s3  }
0xc: {  	[smem:$0x3F9E] =	sst s4  }
0xd: {  	[smem:$0x3F9F] =	sst s5  }
0xe: {  	[smem:$0x3FA0] =	sst s6  }
0xf: {  	[smem:$0x3FA1] =	sst s7  }
0x10: {  	[smem:$0x3FA2] =	sst s8  }
0x11: {  	[smem:$0x3FA3] =	sst s9;
	s0 =	simm.s32 @!p0 $0x0  }
0x12: {  	s1 =	sld [smem:$0x3F89];
	s0 =	simm.s32 @p0 $0x1  }
0x13: {  	[smem:$0x3FA4] =	sst s0;
	s0 =	simm.s32 @!p1 $0x0  }
0x14: {  	s2 =	sld [smem:$0x3F88];
	s0 =	simm.s32 @p1 $0x1  }
0x15: {  	[smem:$0x3FA5] =	sst s0;
	s0 =	simm.s32 @!p2 $0x0  }
0x16: {  	s3 =	sld [smem:$0x3FDB];
	s0 =	simm.s32 @p2 $0x1  }
0x17: {  	s4 =	simm.s32 $0x1BF5;
	[smem:$0x3FA7] =	sst s0  }
0x18: {  	s0 =	sld [smem:$0x3F8A];
	_ =	swait.ge [sflag:s4], $0x0  }
0x19: {  	s7 =	sld [smem:$0x3F8B]  }
0x1a: {  	s8 =	sadd.s32 $0xFFFFE003, lr  }
0x1b: {  	s9 =	sadd.s32 $0xFFFFFEF7, lr;
	s5 =	simm.s32 $0xFFFFFFFF;
	p2 =	slt.u32 s8, $0xFFFFF086  }
0x1c: {  	p1 =	slt.u32 s9, $0xF7A;
	s5 =	simm.s32 @!p2 $0x0  }
0x1d: {  	s5 =	simm.s32 @p1 $0x1;
	p0 =	seq.s32 s7, s2  }
0x1e: {  	s7 =	smul.u32 @!p0 $0xF7A, s2;
	p2 =	seq.s32 @!p0 s5, $0x0  }
0x1f: {  	s9 =	smul.u32 $0xF7A, s1;
	s8 =	simm.s32 @!p0 $0x1BF5;
	p2 =	por !p2, p0  }
0x20: {  	[sflag:s8] =	ssyncset.s32 @!p0 $0xFFFFF086;
	s6 =	sadd.s32 @!p0 s3, s7;
	s7 =	simm.s32 @!p0 $0x108  }
0x21: {  	s3 =	sadd.s32 s3, s9;
	s6 =	sadd.s32 @!p0 $0x88, s6;
	s7 =	simm.s32 @p2 $0x1082  }
0x22: {  	[simem:s7], [sflag:s8] =	dma.local @!p0 [hbm:s6], $0xF7A  }
0x23: {  	s9 =	sor.u32 $0xD0000000, s2;
	s6 =	simm.s32 $0x108;
	_ =	swait.ge @!p0 [sflag:s8], $0x0  }
0x24: {  	s3 =	sadd.s32 $0x88, s3;
	s6 =	simm.s32 @!p1 $0x1082;
	[sflag:s4] =	ssyncset.s32 $0xFFFFF086  }
0x25: {  	[simem:s6], [sflag:s4] =	dma.local [hbm:s3], $0xF7A  }
0x26: {  	[smem:$0x3F8B] =	sst s1;
	(tag) =	ssettag s2;
	_ =	strace s9  }
0x27: {  	s1 =	sld [smem:$0x3F9B]  }
0x28: {  	s2 =	sld [smem:$0x3F9C]  }
0x29: {  	s4 =	sld [smem:$0x3F9E]  }
0x2a: {  	p0 =	seq.s32 s5, $0x0;
	s5 =	sld [smem:$0x3F9F]  }
0x2b: {  	s6 =	sld [smem:$0x3FA0]  }
0x2c: {  	s7 =	sld [smem:$0x3FA1]  }
0x2d: {  	s3 =	simm.s32 $0x108;
	s8 =	sld [smem:$0x3FA2]  }
0x2e: {  	s3 =	simm.s32 @!p0 $0x1082;
	s9 =	sld [smem:$0x3FA3]  }
0x2f: {  	lr =	sadd.s32 s0, s3;
	s0 =	sld [smem:$0x3F9A]  }
0x30: {  	s3 =	sld [smem:$0x3F9D]  }
0x31: {  	[smem:$0x3FA6] =	sst s10  }
0x32: {  	s10 =	sld [smem:$0x3FA4];
	_ =	sdelay $0x3  }
0x33: {  	p0 =	seq.s32 s10, $0x1;
	s10 =	sld [smem:$0x3FA6];
	_ =	sdelay $0x3  }
0x34: {  	[smem:$0x3FA6] =	sst s10  }
0x35: {  	s10 =	sld [smem:$0x3FA5];
	_ =	sdelay $0x3  }
0x36: {  	p1 =	seq.s32 s10, $0x1;
	s10 =	sld [smem:$0x3FA6];
	_ =	sdelay $0x3  }
0x37: {  	[smem:$0x3FA6] =	sst s10  }
0x38: {  	s10 =	sld [smem:$0x3FA7]  }
0x39: {  	_ = 	snop;
	(pc) =	sbr.ind lr, $3  }
0x3a: {  	_ = 	snop  }
0x3b: {  	_ = 	snop  }
0x3c: {  	p2 =	seq.s32 s10, $0x1;
	s10 =	sld [smem:$0x3FA6]  }
0x3d: {  	_ =	shalt  }
0x3e: {  	_ =	shalt  }
0x3f: {  	_ =	shalt  }
0x40: {  	_ =	shalt  }
0x41: {  	_ =	shalt  }
0x42: {  	_ =	shalt  }
0x43: {  	_ =	shalt  }
0x44: {  	_ =	shalt  }
0x45: {  	_ =	shalt  }
0x46: {  	_ =	shalt  }
0x47: {  	_ =	shalt  }
0x48: {  	_ =	shalt  }
0x49: {  	_ =	shalt  }
0x4a: {  	_ =	shalt  }
0x4b: {  	_ =	shalt  }
0x4c: {  	_ =	shalt  }
0x4d: {  	_ =	shalt  }
0x4e: {  	_ =	shalt  }
0x4f: {  	_ =	shalt  }
0x50: {  	_ =	shalt  }
0x51: {  	_ =	shalt  }
0x52: {  	_ =	shalt  }
0x53: {  	_ =	shalt  }
0x54: {  	_ =	shalt  }
0x55: {  	_ =	shalt  }
0x56: {  	_ =	shalt  }
0x57: {  	_ =	shalt  }
0x58: {  	_ =	shalt  }
0x59: {  	_ =	shalt  }
0x5a: {  	_ =	shalt  }
0x5b: {  	_ =	shalt  }
0x5c: {  	_ =	shalt  }
0x5d: {  	_ =	shalt  }
0x5e: {  	_ =	shalt  }
0x5f: {  	_ =	shalt  }
0x60: {  	_ =	shalt  }
0x61: {  	_ =	shalt  }
0x62: {  	_ =	shalt  }
0x63: {  	_ =	shalt  }
0x64: {  	_ =	shalt  }
0x65: {  	_ =	shalt  }
0x66: {  	_ =	shalt  }
0x67: {  	_ =	shalt  }
0x68: {  	_ =	shalt  }
0x69: {  	_ =	shalt  }
0x6a: {  	_ =	shalt  }
0x6b: {  	_ =	shalt  }
0x6c: {  	_ =	shalt  }
0x6d: {  	_ =	shalt  }
0x6e: {  	_ =	shalt  }
0x6f: {  	_ =	shalt  }
0x70: {  	_ =	shalt  }
0x71: {  	_ =	shalt  }
0x72: {  	_ =	shalt  }
0x73: {  	_ =	shalt  }
0x74: {  	_ =	shalt  }
0x75: {  	_ =	shalt  }
0x76: {  	_ =	shalt  }
0x77: {  	_ =	shalt  }
0x78: {  	_ =	shalt  }
0x79: {  	_ =	shalt  }
0x7a: {  	_ =	shalt  }
0x7b: {  	_ =	shalt  }
0x7c: {  	_ =	shalt  }
0x7d: {  	_ =	shalt  }
0x7e: {  	_ =	shalt  }
0x7f: {  	_ =	shalt  }
0x80: {  	_ =	shalt  }
0x81: {  	_ =	shalt  }
0x82: {  	_ =	shalt  }
0x83: {  	_ =	shalt  }
0x84: {  	_ =	shalt  }
0x85: {  	_ =	shalt  }
0x86: {  	_ =	shalt  }
0x87: {  	_ =	shalt  }
.Lfunc_end0:
.L_simem_size_0:
called_computation.1_lowered:
.L_overlay_start_0:
0x88: {  	s2 =	sld [smem:$0x3FD9]  }
0x89: {  	s3 =	sld [smem:$0x3FFE];
	_ =	sdelay $0x1  }
0x8a: {  	s1 =	srdreg.scid  }
0x8b: {  	s0 =	sand.u32 $0x1, s1  }
0x8c: {  	s17 =	sshll.u32 s0, $0xA;
	s2 =	sadd.s32 s3, s2  }
0x8d: {  	s2 =	sadd.s32 s2, s17  }
0x8e: {  	[smem:$0x3FB2] =	sst s2  }
0x8f: {  	_ = 	snop  }
0x90: {  	(tm) =	ssettm $0x1  }
0x91: {  	s18 =	sld [smem:$0x3FFB];
	_ =	sdelay $0x3  }
0x92: {  	_ =	strace s18  }
0x93: {  	s2 =	sld [smem:$0x3FFC];
	_ =	sdelay $0x3  }
0x94: {  	_ =	strace s2  }
0x95: {  	s2 =	sld [smem:$0x3FFD];
	_ =	sdelay $0x3  }
0x96: {  	_ =	strace s2  }
0x97: {  	_ =	strace $0x8FFFFFFF  }
0x98: {  	s19 =	sld [smem:$0x3FDB];
	_ =	sdelay $0x1  }
0x99: {  	s20 =	simm.s32 $_scs_section_size  }
0x9a: {  	s4 =	simm.s32 $_size__tile_overlayer_lowered;
	s5 =	simm.s32 $_tile_overlayer_lowered  }
0x9b: {  	s6 =	simm.s32 $0x1BFF;
	s21 =	sshll.u32 s5, $0x1;
	s3 =	sadd.s32 s20, s19  }
0x9c: {  	s22 =	simm.s32 $0x0;
	s4 =	sshll.u32 s4, $0x1;
	s5 =	sadd.s32 s21, s3  }
0x9d: {  	[timem:s22], [sflag:s6] =	dma.local [hbm:s5], s4  }
0x9e: {  	_ =	swait.ge [sflag:s6], s4  }
0x9f: {  	s4 =	ssub.s32 $0x0, s4;
	[sflag:s6] =	ssyncset.done $0x0  }
0xa0: {  	[sflag:s6] =	ssyncadd.s32 s4;
	_ =	sdelay $0x1  }
0xa1: {  	s23 =	simm.s32 $0x1B8B  }
0xa2: {  	_ =	swait.ge [sflag:s23], $0x1  }
0xa3: {  	[sflag:s23] =	ssyncset.done $0x0  }
0xa4: {  	[sflag:s23] =	ssyncadd.s32 $0xFFFFFFFF  }
0xa5: {  	s4 =	sld [smem:$0x0]  }
0xa6: {  	s5 =	sand.u32 $0xFFFFFFFE, s1  }
0xa7: {  	p0 =	sne.s32 s1, s5  }
0xa8: {  	s5 =	sshll.u32 @p0 s5, $0xE  }
0xa9: {  	s5 =	sadd.s32 @p0 $0x11B8D, s5;
	s6 =	sshll.u32 @p0 s4, $0x11  }
0xaa: {  	s5 =	sor.u32 @p0 s6, s5  }
0xab: {  	[sflag:s5] =	ssyncadd.remote.s32 @p0 $0x1;
	_ =	sdelay $0x1  }
0xac: {  	s5 =	simm.s32 @p0 $0x1B8D  }
0xad: {  	_ =	swait.eq @p0 [sflag:s5], $0x1  }
0xae: {  	[sflag:s5] =	ssyncadd.s32 @p0 $0xFFFFFFFF  }
0xaf: {  	s6 =	sshll.u32 @!p0 s1, $0xE  }
0xb0: {  	s6 =	sor.u32 @!p0 $0x4000, s6;
	s5 =	simm.s32 @!p0 $0x1B8D  }
0xb1: {  	s4 =	sshll.u32 @!p0 s4, $0x11;
	s6 =	sadd.s32 @!p0 $0x11B8D, s6;
	_ =	swait.eq @!p0 [sflag:s5], $0x1  }
0xb2: {  	s4 =	sor.u32 @!p0 s4, s6;
	[sflag:s5] =	ssyncadd.s32 @!p0 $0xFFFFFFFF  }
0xb3: {  	s25 =	simm.s32 $0x1B8E;
	s24 =	sld [smem:$0x3FFE];
	[sflag:s4] =	ssyncadd.remote.s32 @!p0 $0x1  }
0xb4: {  	s26 =	simm.s32 $execute0_lowered;
	[smem:$0x3FD2] =	sst s25  }
0xb5: {  	s5 =	sshll.u32 s26, $0x1;
	_ =	strace $0x80000049;
	[dreg:$0x1] =	wrdreg $0xFFFFFFFF  }
0xb6: {  	s28 =	simm.s32 $_size_execute0_lowered;
	s3 =	sadd.s32 s3, s5;
	[dreg:$0x0] =	wrdreg $0x0  }
0xb7: {  	s5 =	sshll.u32 s28, $0x1;
	[dreg:$0x2] =	wrdreg s3  }
0xb8: {  	[dreg:$0x3] =	wrdreg s5  }
0xb9: {  	[dreg:$0x4] =	wrdreg $0xC0  }
0xba: {  	_ =	task [dreg:s22], $0x5FFFF  }
0xbb: {  	[dreg:$0x1] =	wrdreg $0xFFFFFFFF  }
0xbc: {  	[dreg:$0x0] =	wrdreg $0x60  }
0xbd: {  	[dreg:$0x2] =	wrdreg s24  }
0xbe: {  	[dreg:$0x3] =	wrdreg $0x90000  }
0xbf: {  	[dreg:$0x4] =	wrdreg $0xA  }
0xc0: {  	_ =	task.clear_ibuf [dreg:s22], $0x5FFFF;
	_ =	strace $0x90000049  }
0xc1: {  	s29 =	simm.s32 $0xA;
	_ =	strace $0x8000004B  }
0xc2: {  	_ =	swait.ge [sflag:s29], $0x1  }
0xc3: {  	[sflag:s29] =	ssyncadd.s32 $0xFFFFFFFF  }
0xc4: {  	_ =	strace $0x9000004B  }
0xc5: {  	_ =	sfence  }
0xc6: {  	s30 =	sld [smem:$0x0];
	_ =	sdelay $0x2  }
0xc7: {  	s31 =	sshll.u32 s1, $0xD;
	s1 =	sshrl.u32 s1, $0x2  }
0xc8: {  	s4 =	sand.u32 $0x4000, s31;
	s1 =	sadd.s32 s1, s30  }
0xc9: {  	s0 =	sor.u32 s4, s0;
	s1 =	sshll.u32 s1, $0x11  }
0xca: {  	s0 =	sor.u32 s1, s0  }
0xcb: {  	s0 =	sadd.s32 $0x8F2B, s0  }
0xcc: {  	[sflag:s0] =	ssyncadd.remote.s32 $0x1  }
0xcd: {  	_ =	sfence.sel $0xFFFF  }
0xce: {  	[dreg:$0x0] =	wrdreg $0xFFFFFFFF;
	(pc) =	sbr.abs _section_cstart, $3  }
0xcf: {  	[dreg:$0x1] =	wrdreg $0xFFFFFFFF  }
0xd0: {  	_ =	task.clear_ibuf [dreg:s22], $0x2FFFF;
	_ =	strace $0x9FFFFFFF  }
0xd1: {  	(tm) =	ssettm $0x7FFFFFFF  }
tec
execute0_lowered:
.L_overlay_start_1:
0x0: {  	(tag) =	ssettag $0x1  }
0x1: {  	s0 =	srdreg.scid;
	s6 =	rddreg [dreg:$0x0]  }
0x2: {  	s2 =	rddreg [dreg:$0x1];
	s3 =	simm.s32 $0x0;
	s14 =	simm.s32 $0x80  }
0x3: {  	s15 =	simm.s32 $0x5000;
	s5 =	sand.u32 $0x1, s0;
	s0 =	stileid.u32  }
0x4: {  	s16 =	simm.s32 $0x1;
	s17 =	simm.s32 $0x0;
	s8 =	smul.u32 $0x14800, s0  }
0x5: {  	[smem:$0x7FF] =	sst s3;
	s1 =	sshll.u32 s5, $0x4;
	s9 =	smul.u32 $0x148000, s5  }
0x6: {  	s5 =	ssub.s32 $0x2, s5;
	s31 =	smul.u32 $0x52000, s0;
	s12 =	sshll.u32 s0, $0x6  }
0x7: {  	s4 =	sor.u32 s0, s1;
	s1 =	rddreg [dreg:$0x2];
	_ =	strace $0x8000004A  }
0x8: {  	s11 =	sshrl.u32 s5, $0x1;
	s12 =	sor.u32 $0x1C02, s12;
	s7 =	smul.u32 $0x500, s4  }
0x9: {  	s4 =	sadd.s32 $0x18C00, s6;
	s10 =	sshrl.u32 s8, $0x3;
	s8 =	sadd.s32 s8, s9  }
0xa: {  	s11 =	ssub.s32 s5, s11;
	s9 =	sshrl.u32 s31, $0x2;
	s10 =	sadd.s32 s10, s6  }
0xb: {  	s8 =	sshrl.u32 s8, $0x3;
	s13 =	sadd.s32 s9, s2;
	s9 =	smax.u32 s11, $0x1  }
0xc: {  	s11 =	simm.s32 $0x2800;
	s7 =	sadd.s32 s7, s6;
	s8 =	sadd.s32 s8, s6  }
0xd: {  	s13 =	sshrl.u32 s13, $0x3;
	s5 =	sadd.s32 $0x4C00, s7;
	s6 =	sadd.s32 $0xEC00, s7  }
0xe: {  	s7 =	sadd.s32 $0x42200, s10;
	s8 =	sadd.s32 $0x6B200, s8;
	s10 =	simm.s32 $0x2  }
.LBB2_1:
0xf: {  	[tilespmem:s3], [sflag:$0x2] =	stream.linear.gather [hbm4b:s5+s3], $0x2780, $0x38;
	[tilespmem:$0x1D800] =	vst v63  }
0x10: {  	_ =	swait.ge [sflag:s10], $0x2780  }
0x11: {  	[sflag:s10] =	ssyncset.done $0x0  }
0x12: {  	[sflag:s10] =	ssyncadd.s32 $0xFFFFD880  }
0x13: {  	[tilespmem:s11], [sflag:$0x2] =	stream.linear.gather [hbm4b:s6+s3], $0x2780, $0x38;
	[tilespmem:$0x1D800] =	vst v63  }
0x14: {  	_ =	swait.ge [sflag:s10], $0x2780  }
0x15: {  	[sflag:s10] =	ssyncset.done $0x0  }
0x16: {  	[sflag:s10] =	ssyncadd.s32 $0xFFFFD880  }
0x17: {  	[spmem:s13], [sflag:s12] =	dma.local [hbm:s7], $0x2900  }
0x18: {  	_ =	swait.ge [sflag:s10], $0x2900  }
0x19: {  	[sflag:s10] =	ssyncset.done $0x0  }
0x1a: {  	[sflag:s10] =	ssyncadd.s32 $0xFFFFD700  }
0x1b: {  	s18 =	simm.s32 $0x0;
	[bflag:$0x0] =	sbarrier.arrive $0xFFFF  }
0x1c: {  	[tilespmem:s15], [sflag:$0x1] =	stream.indirect.gather [hbm4b:s4+s14], $0x80, s18, s14, $0xb8;
	[tilespmem:$0x1D800] =	vst v63  }
0x1d: {  	_ =	swait.ge [sflag:s16], $0x4000  }
0x1e: {  	[sflag:s16] =	ssyncset.done $0x0  }
0x1f: {  	s31 =	simm.s32 $0x2800;
	[sflag:s16] =	ssyncadd.s32 $0xFFFFC000  }
0x20: {  	[spmem:s2] =	stream.indirect.scatter.add.f32 [tilespmem:s15], [sflag:$0x2], $0x80, s31, s14, $0xb8;
	[tilespmem:$0x1D800] =	vst v63  }
0x21: {  	_ =	swait.ge [sflag:s10], $0x4000  }
0x22: {  	s19 =	simm.s32 $0x400;
	s18 =	simm.s32 $0x200;
	[sflag:s10] =	ssyncset.done $0x0  }
.LBB2_2:
0x23: {  	s20 =	sshra.s32 s18, $0x2  }
0x24: {  	[sflag:s10] =	ssyncadd.s32 $0xFFFFC000;
	s18 =	smov.u32 s19;
	s21 =	sadd.s32 $0x200, s19  }
0x25: {  	[tilespmem:s15], [sflag:$0x1] =	stream.indirect.gather [hbm4b:s4+s14], $0x80, s20, s14, $0xb8;
	[tilespmem:$0x1D800] =	vst v63  }
0x26: {  	p0 =	sne.s32 s19, $0x9C00;
	_ =	swait.ge [sflag:s16], $0x4000  }
.Ltmp0:
0x27: {  	[sflag:s16] =	ssyncset.done $0x0;
	(pc) =	sbr.rel @p0 .LBB2_2-.Ltmp0, $4  }
0x28: {  	s19 =	sadd.s32 $0x2800, s20;
	[sflag:s16] =	ssyncadd.s32 $0xFFFFC000  }
0x29: {  	[spmem:s2] =	stream.indirect.scatter.add.f32 [tilespmem:s15], [sflag:$0x2], $0x80, s19, s14, $0xb8;
	[tilespmem:$0x1D800] =	vst v63  }
0x2a: {  	_ =	swait.ge [sflag:s10], $0x4000  }
0x2b: {  	s19 =	smov.u32 s21;
	[sflag:s10] =	ssyncset.done $0x0  }
0x2c: {  	s18 =	sshra.s32 s18, $0x2;
	[sflag:s10] =	ssyncadd.s32 $0xFFFFC000  }
0x2d: {  	[tilespmem:s15], [sflag:$0x1] =	stream.indirect.gather [hbm4b:s4+s14], $0x80, s18, s14, $0xb8;
	[tilespmem:$0x1D800] =	vst v63  }
0x2e: {  	_ =	swait.ge [sflag:s16], $0x4000  }
0x2f: {  	[sflag:s16] =	ssyncset.done $0x0  }
0x30: {  	s18 =	sadd.s32 $0x2800, s18;
	[sflag:s16] =	ssyncadd.s32 $0xFFFFC000  }
0x31: {  	[spmem:s2] =	stream.indirect.scatter.add.f32 [tilespmem:s15], [sflag:$0x2], $0x80, s18, s14, $0xb8;
	[tilespmem:$0x1D800] =	vst v63  }
0x32: {  	_ =	swait.ge [sflag:s10], $0x4000  }
0x33: {  	s17 =	sadd.s32 $0x1, s17;
	[sflag:s10] =	ssyncset.done $0x0  }
0x34: {  	p0 =	sne.s32 s17, s9;
	[sflag:s10] =	ssyncadd.s32 $0xFFFFC000  }
.Ltmp1:
0x35: {  	[bflag:$0x0] =	sbarrier.arrive $0xFFFF;
	(pc) =	sbr.rel @p0 .LBB2_1-.Ltmp1, $4  }
0x36: {  	[hbm:s8], [sflag:s12] =	dma.local [spmem:s13], $0x2900  }
0x37: {  	_ =	swait.ge [sflag:s10], $0x2900  }
0x38: {  	[sflag:s10] =	ssyncset.done $0x0  }
0x39: {  	[sflag:s10] =	ssyncadd.s32 $0xFFFFD700  }
0x3a: {  	_ =	sfence.sel $0x180000  }
0x3b: {  	[bflag:$0x0] =	sbarrier.arrive $0xFFFF  }
0x3c: {  	p0 =	sne.s32 s0, $0x0;
	_ =	strace $0x9000004A  }
0x3d: {  	s0 =	sadd.s32 @!p0 $0x100000, s1;
	[bflag:$0x2] =	sbarrier.arrive $0xFFFF  }
0x3e: {  	[sflag:s0] =	ssyncadd.tile.s32 @!p0 $0x1;
	_ =	shalt  }
.Lfunc_end2:
_tile_overlayer_lowered:
.L_overlay_start_2:
0x3f: {  	(tag) =	ssettag $0x2  }
0x40: {  	s0 =	rddreg [dreg:$0x0];
	s2 =	stileid.u32  }
0x41: {  	s1 =	rddreg [dreg:$0x1];
	p0 =	sne.s32 s2, $0x0  }
0x42: {  	s3 =	rddreg [dreg:$0x2];
	[bflag:$0x3] =	sbarrier.arrive $0xFFFF;
	s2 =	simm.s32 @!p0 $0x1C02  }
0x43: {  	[timem:s3], [sflag:s2] =	dma.local @!p0 [hbm:s0], s1  }
0x44: {  	s0 =	simm.s32 @!p0 $0x2  }
0x45: {  	_ =	swait.ge @!p0 [sflag:s0], s1  }
0x46: {  	s1 =	ssub.s32 @!p0 $0x0, s1;
	[sflag:s0] =	ssyncset.done @!p0 $0x0  }
0x47: {  	[sflag:s0] =	ssyncadd.s32 @!p0 s1  }
0x48: {  	[bflag:$0x3] =	sbarrier.arrive $0xFFFF  }
0x49: {  	_ =	shalt  }

// kernel: kernel.17.cloned.1.call-start
scs
__scs_entry_jumppad:
0x0: {  	(pc) =	sbr.rel $0x88, $3  }
0x1: {  	(tag) =	ssettag $0x0;
	lr =	simm.s32 $0x1  }
0x2: {  	[smem:$0x3F8B] =	sst lr;
	_ =	strace $0xD0000000  }
0x3: {  	_ = 	snop  }
0x4: {  	_ = 	snop  }
0x5: {  	_ = 	snop  }
0x6: {  	_ = 	snop  }
0x7: {  	_ = 	snop  }
__scs_overlays_trampoline_lowered:
0x8: {  	[smem:$0x3F9A] =	sst s0  }
0x9: {  	[smem:$0x3F9B] =	sst s1  }
0xa: {  	[smem:$0x3F9C] =	sst s2  }
0xb: {  	[smem:$0x3F9D] =	sst s3  }
0xc: {  	[smem:$0x3F9E] =	sst s4  }
0xd: {  	[smem:$0x3F9F] =	sst s5  }
0xe: {  	[smem:$0x3FA0] =	sst s6  }
0xf: {  	[smem:$0x3FA1] =	sst s7  }
0x10: {  	[smem:$0x3FA2] =	sst s8  }
0x11: {  	[smem:$0x3FA3] =	sst s9;
	s0 =	simm.s32 @!p0 $0x0  }
0x12: {  	s1 =	sld [smem:$0x3F89];
	s0 =	simm.s32 @p0 $0x1  }
0x13: {  	[smem:$0x3FA4] =	sst s0;
	s0 =	simm.s32 @!p1 $0x0  }
0x14: {  	s2 =	sld [smem:$0x3F88];
	s0 =	simm.s32 @p1 $0x1  }
0x15: {  	[smem:$0x3FA5] =	sst s0;
	s0 =	simm.s32 @!p2 $0x0  }
0x16: {  	s3 =	sld [smem:$0x3FDB];
	s0 =	simm.s32 @p2 $0x1  }
0x17: {  	s4 =	simm.s32 $0x1BF5;
	[smem:$0x3FA7] =	sst s0  }
0x18: {  	s0 =	sld [smem:$0x3F8A];
	_ =	swait.ge [sflag:s4], $0x0  }
0x19: {  	s7 =	sld [smem:$0x3F8B]  }
0x1a: {  	s8 =	sadd.s32 $0xFFFFE003, lr  }
0x1b: {  	s9 =	sadd.s32 $0xFFFFFEF7, lr;
	s5 =	simm.s32 $0xFFFFFFFF;
	p2 =	slt.u32 s8, $0xFFFFF086  }
0x1c: {  	p1 =	slt.u32 s9, $0xF7A;
	s5 =	simm.s32 @!p2 $0x0  }
0x1d: {  	s5 =	simm.s32 @p1 $0x1;
	p0 =	seq.s32 s7, s2  }
0x1e: {  	s7 =	smul.u32 @!p0 $0xF7A, s2;
	p2 =	seq.s32 @!p0 s5, $0x0  }
0x1f: {  	s9 =	smul.u32 $0xF7A, s1;
	s8 =	simm.s32 @!p0 $0x1BF5;
	p2 =	por !p2, p0  }
0x20: {  	[sflag:s8] =	ssyncset.s32 @!p0 $0xFFFFF086;
	s6 =	sadd.s32 @!p0 s3, s7;
	s7 =	simm.s32 @!p0 $0x108  }
0x21: {  	s3 =	sadd.s32 s3, s9;
	s6 =	sadd.s32 @!p0 $0x88, s6;
	s7 =	simm.s32 @p2 $0x1082  }
0x22: {  	[simem:s7], [sflag:s8] =	dma.local @!p0 [hbm:s6], $0xF7A  }
0x23: {  	s9 =	sor.u32 $0xD0000000, s2;
	s6 =	simm.s32 $0x108;
	_ =	swait.ge @!p0 [sflag:s8], $0x0  }
0x24: {  	s3 =	sadd.s32 $0x88, s3;
	s6 =	simm.s32 @!p1 $0x1082;
	[sflag:s4] =	ssyncset.s32 $0xFFFFF086  }
0x25: {  	[simem:s6], [sflag:s4] =	dma.local [hbm:s3], $0xF7A  }
0x26: {  	[smem:$0x3F8B] =	sst s1;
	(tag) =	ssettag s2;
	_ =	strace s9  }
0x27: {  	s1 =	sld [smem:$0x3F9B]  }
0x28: {  	s2 =	sld [smem:$0x3F9C]  }
0x29: {  	s4 =	sld [smem:$0x3F9E]  }
0x2a: {  	p0 =	seq.s32 s5, $0x0;
	s5 =	sld [smem:$0x3F9F]  }
0x2b: {  	s6 =	sld [smem:$0x3FA0]  }
0x2c: {  	s7 =	sld [smem:$0x3FA1]  }
0x2d: {  	s3 =	simm.s32 $0x108;
	s8 =	sld [smem:$0x3FA2]  }
0x2e: {  	s3 =	simm.s32 @!p0 $0x1082;
	s9 =	sld [smem:$0x3FA3]  }
0x2f: {  	lr =	sadd.s32 s0, s3;
	s0 =	sld [smem:$0x3F9A]  }
0x30: {  	s3 =	sld [smem:$0x3F9D]  }
0x31: {  	[smem:$0x3FA6] =	sst s10  }
0x32: {  	s10 =	sld [smem:$0x3FA4];
	_ =	sdelay $0x3  }
0x33: {  	p0 =	seq.s32 s10, $0x1;
	s10 =	sld [smem:$0x3FA6];
	_ =	sdelay $0x3  }
0x34: {  	[smem:$0x3FA6] =	sst s10  }
0x35: {  	s10 =	sld [smem:$0x3FA5];
	_ =	sdelay $0x3  }
0x36: {  	p1 =	seq.s32 s10, $0x1;
	s10 =	sld [smem:$0x3FA6];
	_ =	sdelay $0x3  }
0x37: {  	[smem:$0x3FA6] =	sst s10  }
0x38: {  	s10 =	sld [smem:$0x3FA7]  }
0x39: {  	_ = 	snop;
	(pc) =	sbr.ind lr, $3  }
0x3a: {  	_ = 	snop  }
0x3b: {  	_ = 	snop  }
0x3c: {  	p2 =	seq.s32 s10, $0x1;
	s10 =	sld [smem:$0x3FA6]  }
0x3d: {  	_ =	shalt  }
0x3e: {  	_ =	shalt  }
0x3f: {  	_ =	shalt  }
0x40: {  	_ =	shalt  }
0x41: {  	_ =	shalt  }
0x42: {  	_ =	shalt  }
0x43: {  	_ =	shalt  }
0x44: {  	_ =	shalt  }
0x45: {  	_ =	shalt  }
0x46: {  	_ =	shalt  }
0x47: {  	_ =	shalt  }
0x48: {  	_ =	shalt  }
0x49: {  	_ =	shalt  }
0x4a: {  	_ =	shalt  }
0x4b: {  	_ =	shalt  }
0x4c: {  	_ =	shalt  }
0x4d: {  	_ =	shalt  }
0x4e: {  	_ =	shalt  }
0x4f: {  	_ =	shalt  }
0x50: {  	_ =	shalt  }
0x51: {  	_ =	shalt  }
0x52: {  	_ =	shalt  }
0x53: {  	_ =	shalt  }
0x54: {  	_ =	shalt  }
0x55: {  	_ =	shalt  }
0x56: {  	_ =	shalt  }
0x57: {  	_ =	shalt  }
0x58: {  	_ =	shalt  }
0x59: {  	_ =	shalt  }
0x5a: {  	_ =	shalt  }
0x5b: {  	_ =	shalt  }
0x5c: {  	_ =	shalt  }
0x5d: {  	_ =	shalt  }
0x5e: {  	_ =	shalt  }
0x5f: {  	_ =	shalt  }
0x60: {  	_ =	shalt  }
0x61: {  	_ =	shalt  }
0x62: {  	_ =	shalt  }
0x63: {  	_ =	shalt  }
0x64: {  	_ =	shalt  }
0x65: {  	_ =	shalt  }
0x66: {  	_ =	shalt  }
0x67: {  	_ =	shalt  }
0x68: {  	_ =	shalt  }
0x69: {  	_ =	shalt  }
0x6a: {  	_ =	shalt  }
0x6b: {  	_ =	shalt  }
0x6c: {  	_ =	shalt  }
0x6d: {  	_ =	shalt  }
0x6e: {  	_ =	shalt  }
0x6f: {  	_ =	shalt  }
0x70: {  	_ =	shalt  }
0x71: {  	_ =	shalt  }
0x72: {  	_ =	shalt  }
0x73: {  	_ =	shalt  }
0x74: {  	_ =	shalt  }
0x75: {  	_ =	shalt  }
0x76: {  	_ =	shalt  }
0x77: {  	_ =	shalt  }
0x78: {  	_ =	shalt  }
0x79: {  	_ =	shalt  }
0x7a: {  	_ =	shalt  }
0x7b: {  	_ =	shalt  }
0x7c: {  	_ =	shalt  }
0x7d: {  	_ =	shalt  }
0x7e: {  	_ =	shalt  }
0x7f: {  	_ =	shalt  }
0x80: {  	_ =	shalt  }
0x81: {  	_ =	shalt  }
0x82: {  	_ =	shalt  }
0x83: {  	_ =	shalt  }
0x84: {  	_ =	shalt  }
0x85: {  	_ =	shalt  }
0x86: {  	_ =	shalt  }
0x87: {  	_ =	shalt  }
.Lfunc_end0:
.L_simem_size_0:
called_computation.2_lowered:
.L_overlay_start_0:
0x88: {  	s2 =	sld [smem:$0x3FD9]  }
0x89: {  	s3 =	sld [smem:$0x3FFE];
	_ =	sdelay $0x1  }
0x8a: {  	s1 =	srdreg.scid  }
0x8b: {  	s0 =	sand.u32 $0x1, s1  }
0x8c: {  	s16 =	sshll.u32 s0, $0xA;
	s2 =	sadd.s32 s3, s2  }
0x8d: {  	s2 =	sadd.s32 s2, s16  }
0x8e: {  	[smem:$0x3FB2] =	sst s2  }
0x8f: {  	_ = 	snop  }
0x90: {  	(tm) =	ssettm $0x1  }
0x91: {  	s17 =	sld [smem:$0x3FFB];
	_ =	sdelay $0x3  }
0x92: {  	_ =	strace s17  }
0x93: {  	s2 =	sld [smem:$0x3FFC];
	_ =	sdelay $0x3  }
0x94: {  	_ =	strace s2  }
0x95: {  	s2 =	sld [smem:$0x3FFD];
	_ =	sdelay $0x3  }
0x96: {  	_ =	strace s2  }
0x97: {  	_ =	strace $0x8FFFFFFF  }
0x98: {  	s18 =	sld [smem:$0x3FDB];
	_ =	sdelay $0x1  }
0x99: {  	s19 =	simm.s32 $_scs_section_size  }
0x9a: {  	s4 =	simm.s32 $_size__tile_overlayer_lowered;
	s5 =	simm.s32 $_tile_overlayer_lowered  }
0x9b: {  	s22 =	simm.s32 $0x1BFF;
	s21 =	sshll.u32 s5, $0x1;
	s2 =	sadd.s32 s19, s18  }
0x9c: {  	s6 =	simm.s32 $0x0;
	s20 =	sshll.u32 s4, $0x1;
	s4 =	sadd.s32 s21, s2  }
0x9d: {  	[timem:s6], [sflag:s22] =	dma.local [hbm:s4], s20  }
0x9e: {  	_ =	swait.ge [sflag:s22], s20  }
0x9f: {  	s3 =	ssub.s32 $0x0, s20;
	[sflag:s22] =	ssyncset.done $0x0  }
0xa0: {  	[sflag:s22] =	ssyncadd.s32 s3;
	_ =	sdelay $0x1  }
0xa1: {  	s23 =	simm.s32 $0x1B8B  }
0xa2: {  	_ =	swait.ge [sflag:s23], $0x1  }
0xa3: {  	[sflag:s23] =	ssyncset.done $0x0  }
0xa4: {  	s25 =	simm.s32 $0x1B8E;
	s24 =	sld [smem:$0x3FFE];
	[sflag:s23] =	ssyncadd.s32 $0xFFFFFFFF  }
0xa5: {  	s26 =	simm.s32 $execute0_lowered;
	[smem:$0x3FD2] =	sst s25  }
0xa6: {  	s4 =	sshll.u32 s26, $0x1;
	_ =	strace $0x8000004C;
	[dreg:$0x1] =	wrdreg $0xFFFFFFFF  }
0xa7: {  	s28 =	simm.s32 $_size_execute0_lowered;
	s2 =	sadd.s32 s2, s4;
	[dreg:$0x0] =	wrdreg $0x0  }
0xa8: {  	s4 =	sshll.u32 s28, $0x1;
	[dreg:$0x2] =	wrdreg s2  }
0xa9: {  	[dreg:$0x3] =	wrdreg s4  }
0xaa: {  	[dreg:$0x4] =	wrdreg $0xC0  }
0xab: {  	_ =	task [dreg:s6], $0x5FFFF  }
0xac: {  	[dreg:$0x1] =	wrdreg $0xFFFFFFFF  }
0xad: {  	[dreg:$0x0] =	wrdreg $0x60  }
0xae: {  	[dreg:$0x2] =	wrdreg s24  }
0xaf: {  	[dreg:$0x3] =	wrdreg $0x90000  }
0xb0: {  	[dreg:$0x4] =	wrdreg $0x9  }
0xb1: {  	_ =	task.clear_ibuf [dreg:s6], $0x5FFFF;
	_ =	strace $0x9000004C  }
0xb2: {  	s29 =	simm.s32 $0x9;
	_ =	strace $0x8000004E  }
0xb3: {  	_ =	swait.ge [sflag:s29], $0x1  }
0xb4: {  	[sflag:s29] =	ssyncadd.s32 $0xFFFFFFFF  }
0xb5: {  	_ =	strace $0x9000004E  }
0xb6: {  	_ =	sfence  }
0xb7: {  	s30 =	sld [smem:$0x0];
	_ =	sdelay $0x2  }
0xb8: {  	s31 =	sshll.u32 s1, $0xD;
	s1 =	sshrl.u32 s1, $0x2  }
0xb9: {  	s3 =	sand.u32 $0x4000, s31;
	s1 =	sadd.s32 s1, s30  }
0xba: {  	s0 =	sor.u32 s3, s0;
	s1 =	sshll.u32 s1, $0x11  }
0xbb: {  	s0 =	sor.u32 s1, s0  }
0xbc: {  	s0 =	sadd.s32 $0x8F2B, s0  }
0xbd: {  	[sflag:s0] =	ssyncadd.remote.s32 $0x1  }
0xbe: {  	_ =	sfence.sel $0xFFFF  }
0xbf: {  	[dreg:$0x0] =	wrdreg $0xFFFFFFFF;
	(pc) =	sbr.abs _section_cstart, $3  }
0xc0: {  	[dreg:$0x1] =	wrdreg $0xFFFFFFFF  }
0xc1: {  	_ =	task.clear_ibuf [dreg:s6], $0x2FFFF;
	_ =	strace $0x9FFFFFFF  }
0xc2: {  	(tm) =	ssettm $0x7FFFFFFF  }
0xc3: {  	_ =	shalt  }
tec
execute0_lowered:
.L_overlay_start_1:
0x0: {  	(tag) =	ssettag $0x1  }
0x1: {  	s0 =	srdreg.scid;
	s6 =	rddreg [dreg:$0x0]  }
0x2: {  	s2 =	rddreg [dreg:$0x1];
	s3 =	simm.s32 $0x0;
	s14 =	simm.s32 $0x80  }
0x3: {  	s15 =	simm.s32 $0x5000;
	s5 =	sand.u32 $0x1, s0;
	s0 =	stileid.u32  }
0x4: {  	s16 =	simm.s32 $0x1;
	s17 =	simm.s32 $0x0;
	s8 =	smul.u32 $0x14800, s0  }
0x5: {  	[smem:$0x7FF] =	sst s3;
	s1 =	sshll.u32 s5, $0x4;
	s9 =	smul.u32 $0x148000, s5  }
0x6: {  	s5 =	ssub.s32 $0x2, s5;
	s31 =	smul.u32 $0x52000, s0;
	s12 =	sshll.u32 s0, $0x6  }
0x7: {  	s4 =	sor.u32 s0, s1;
	s1 =	rddreg [dreg:$0x2];
	_ =	strace $0x8000004D  }
0x8: {  	s11 =	sshrl.u32 s5, $0x1;
	s12 =	sor.u32 $0x1C02, s12;
	s7 =	smul.u32 $0x500, s4  }
0x9: {  	s4 =	sadd.s32 $0x18C00, s6;
	s10 =	sshrl.u32 s8, $0x3;
	s8 =	sadd.s32 s8, s9  }
0xa: {  	s11 =	ssub.s32 s5, s11;
	s9 =	sshrl.u32 s31, $0x2;
	s10 =	sadd.s32 s10, s6  }
0xb: {  	s8 =	sshrl.u32 s8, $0x3;
	s13 =	sadd.s32 s9, s2;
	s9 =	smax.u32 s11, $0x1  }
0xc: {  	s11 =	simm.s32 $0x2800;
	s7 =	sadd.s32 s7, s6;
	s8 =	sadd.s32 s8, s6  }
0xd: {  	s13 =	sshrl.u32 s13, $0x3;
	s5 =	sadd.s32 $0x4C00, s7;
	s6 =	sadd.s32 $0xEC00, s7  }
0xe: {  	s7 =	sadd.s32 $0x42200, s10;
	s8 =	sadd.s32 $0x6B200, s8;
	s10 =	simm.s32 $0x2  }
.LBB2_1:
0xf: {  	[tilespmem:s3], [sflag:$0x2] =	stream.linear.gather [hbm4b:s5+s3], $0x2780, $0x38;
	[tilespmem:$0x1D800] =	vst v63  }
0x10: {  	_ =	swait.ge [sflag:s10], $0x2780  }
0x11: {  	[sflag:s10] =	ssyncset.done $0x0  }
0x12: {  	[sflag:s10] =	ssyncadd.s32 $0xFFFFD880  }
0x13: {  	[tilespmem:s11], [sflag:$0x2] =	stream.linear.gather [hbm4b:s6+s3], $0x2780, $0x38;
	[tilespmem:$0x1D800] =	vst v63  }
0x14: {  	_ =	swait.ge [sflag:s10], $0x2780  }
0x15: {  	[sflag:s10] =	ssyncset.done $0x0  }
0x16: {  	[sflag:s10] =	ssyncadd.s32 $0xFFFFD880  }
0x17: {  	[spmem:s13], [sflag:s12] =	dma.local [hbm:s7], $0x2900  }
0x18: {  	_ =	swait.ge [sflag:s10], $0x2900  }
0x19: {  	[sflag:s10] =	ssyncset.done $0x0  }
0x1a: {  	[sflag:s10] =	ssyncadd.s32 $0xFFFFD700  }
0x1b: {  	s18 =	simm.s32 $0x0;
	[bflag:$0x0] =	sbarrier.arrive $0xFFFF  }
0x1c: {  	[tilespmem:s15], [sflag:$0x1] =	stream.indirect.gather [hbm4b:s4+s14], $0x80, s18, s14, $0xb8;
	[tilespmem:$0x1D800] =	vst v63  }
0x1d: {  	_ =	swait.ge [sflag:s16], $0x4000  }
0x1e: {  	[sflag:s16] =	ssyncset.done $0x0  }
0x1f: {  	s31 =	simm.s32 $0x2800;
	[sflag:s16] =	ssyncadd.s32 $0xFFFFC000  }
0x20: {  	[spmem:s2] =	stream.indirect.scatter.add.f32 [tilespmem:s15], [sflag:$0x2], $0x80, s31, s14, $0xb8;
	[tilespmem:$0x1D800] =	vst v63  }
0x21: {  	_ =	swait.ge [sflag:s10], $0x4000  }
0x22: {  	s19 =	simm.s32 $0x400;
	s18 =	simm.s32 $0x200;
	[sflag:s10] =	ssyncset.done $0x0  }
.LBB2_2:
0x23: {  	s20 =	sshra.s32 s18, $0x2  }
0x24: {  	[sflag:s10] =	ssyncadd.s32 $0xFFFFC000;
	s18 =	smov.u32 s19;
	s21 =	sadd.s32 $0x200, s19  }
0x25: {  	[tilespmem:s15], [sflag:$0x1] =	stream.indirect.gather [hbm4b:s4+s14], $0x80, s20, s14, $0xb8;
	[tilespmem:$0x1D800] =	vst v63  }
0x26: {  	p0 =	sne.s32 s19, $0x9C00;
	_ =	swait.ge [sflag:s16], $0x4000  }
.Ltmp0:
0x27: {  	[sflag:s16] =	ssyncset.done $0x0;
	(pc) =	sbr.rel @p0 .LBB2_2-.Ltmp0, $4  }
0x28: {  	s19 =	sadd.s32 $0x2800, s20;
	[sflag:s16] =	ssyncadd.s32 $0xFFFFC000  }
0x29: {  	[spmem:s2] =	stream.indirect.scatter.add.f32 [tilespmem:s15], [sflag:$0x2], $0x80, s19, s14, $0xb8;
	[tilespmem:$0x1D800] =	vst v63  }
0x2a: {  	_ =	swait.ge [sflag:s10], $0x4000  }
0x2b: {  	s19 =	smov.u32 s21;
	[sflag:s10] =	ssyncset.done $0x0  }
0x2c: {  	s18 =	sshra.s32 s18, $0x2;
	[sflag:s10] =	ssyncadd.s32 $0xFFFFC000  }
0x2d: {  	[tilespmem:s15], [sflag:$0x1] =	stream.indirect.gather [hbm4b:s4+s14], $0x80, s18, s14, $0xb8;
	[tilespmem:$0x1D800] =	vst v63  }
0x2e: {  	_ =	swait.ge [sflag:s16], $0x4000  }
0x2f: {  	[sflag:s16] =	ssyncset.done $0x0  }
0x30: {  	s18 =	sadd.s32 $0x2800, s18;
	[sflag:s16] =	ssyncadd.s32 $0xFFFFC000  }
0x31: {  	[spmem:s2] =	stream.indirect.scatter.add.f32 [tilespmem:s15], [sflag:$0x2], $0x80, s18, s14, $0xb8;
	[tilespmem:$0x1D800] =	vst v63  }
0x32: {  	_ =	swait.ge [sflag:s10], $0x4000  }
0x33: {  	s17 =	sadd.s32 $0x1, s17;
	[sflag:s10] =	ssyncset.done $0x0  }
0x34: {  	p0 =	sne.s32 s17, s9;
	[sflag:s10] =	ssyncadd.s32 $0xFFFFC000  }
.Ltmp1:
0x35: {  	[bflag:$0x0] =	sbarrier.arrive $0xFFFF;
	(pc) =	sbr.rel @p0 .LBB2_1-.Ltmp1, $4  }
0x36: {  	[hbm:s8], [sflag:s12] =	dma.local [spmem:s13], $0x2900  }
0x37: {  	_ =	swait.ge [sflag:s10], $0x2900  }
0x38: {  	[sflag:s10] =	ssyncset.done $0x0  }
0x39: {  	[sflag:s10] =	ssyncadd.s32 $0xFFFFD700  }
0x3a: {  	_ =	sfence.sel $0x180000  }
0x3b: {  	[bflag:$0x0] =	sbarrier.arrive $0xFFFF  }
0x3c: {  	p0 =	sne.s32 s0, $0x0;
	_ =	strace $0x9000004D  }
0x3d: {  	s0 =	sadd.s32 @!p0 $0x100000, s1;
	[bflag:$0x2] =	sbarrier.arrive $0xFFFF  }
0x3e: {  	[sflag:s0] =	ssyncadd.tile.s32 @!p0 $0x1;
	_ =	shalt  }
.Lfunc_end2:
_tile_overlayer_lowered:
.L_overlay_start_2:
0x3f: {  	(tag) =	ssettag $0x2  }
0x40: {  	s0 =	rddreg [dreg:$0x0];
	s2 =	stileid.u32  }
0x41: {  	s1 =	rddreg [dreg:$0x1];
	p0 =	sne.s32 s2, $0x0  }
0x42: {  	s3 =	rddreg [dreg:$0x2];
	[bflag:$0x3] =	sbarrier.arrive $0xFFFF;
	s2 =	simm.s32 @!p0 $0x1C02  }
0x43: {  	[timem:s3], [sflag:s2] =	dma.local @!p0 [hbm:s0], s1  }
0x44: {  	s0 =	simm.s32 @!p0 $0x2  }
0x45: {  	_ =	swait.ge @!p0 [sflag:s0], s1  }
0x46: {  	s1 =	ssub.s32 @!p0 $0x0, s1;
	[sflag:s0] =	ssyncset.done @!p0 $0x0  }
0x47: {  	[sflag:s0] =	ssyncadd.s32 @!p0 s1  }
0x48: {  	[bflag:$0x3] =	sbarrier.arrive $0xFFFF  }
0x49: {  	_ =	shalt  }

// kernel: scatter_offload_async_start
scs
__scs_entry_jumppad:
0x0: {  	(pc) =	sbr.rel $0x88, $3  }
0x1: {  	(tag) =	ssettag $0x0;
	lr =	simm.s32 $0x1  }
0x2: {  	[smem:$0x3F8B] =	sst lr;
	_ =	strace $0xD0000000  }
0x3: {  	_ = 	snop  }
0x4: {  	_ = 	snop  }
0x5: {  	_ = 	snop  }
0x6: {  	_ = 	snop  }
0x7: {  	_ = 	snop  }
__scs_overlays_trampoline_lowered:
0x8: {  	[smem:$0x3F9A] =	sst s0  }
0x9: {  	[smem:$0x3F9B] =	sst s1  }
0xa: {  	[smem:$0x3F9C] =	sst s2  }
0xb: {  	[smem:$0x3F9D] =	sst s3  }
0xc: {  	[smem:$0x3F9E] =	sst s4  }
0xd: {  	[smem:$0x3F9F] =	sst s5  }
0xe: {  	[smem:$0x3FA0] =	sst s6  }
0xf: {  	[smem:$0x3FA1] =	sst s7  }
0x10: {  	[smem:$0x3FA2] =	sst s8  }
0x11: {  	[smem:$0x3FA3] =	sst s9;
	s0 =	simm.s32 @!p0 $0x0  }
0x12: {  	s1 =	sld [smem:$0x3F89];
	s0 =	simm.s32 @p0 $0x1  }
0x13: {  	[smem:$0x3FA4] =	sst s0;
	s0 =	simm.s32 @!p1 $0x0  }
0x14: {  	s2 =	sld [smem:$0x3F88];
	s0 =	simm.s32 @p1 $0x1  }
0x15: {  	[smem:$0x3FA5] =	sst s0;
	s0 =	simm.s32 @!p2 $0x0  }
0x16: {  	s3 =	sld [smem:$0x3FDB];
	s0 =	simm.s32 @p2 $0x1  }
0x17: {  	s4 =	simm.s32 $0x1BF5;
	[smem:$0x3FA7] =	sst s0  }
0x18: {  	s0 =	sld [smem:$0x3F8A];
	_ =	swait.ge [sflag:s4], $0x0  }
0x19: {  	s7 =	sld [smem:$0x3F8B]  }
0x1a: {  	s8 =	sadd.s32 $0xFFFFE003, lr  }
0x1b: {  	s9 =	sadd.s32 $0xFFFFFEF7, lr;
	s5 =	simm.s32 $0xFFFFFFFF;
	p2 =	slt.u32 s8, $0xFFFFF086  }
0x1c: {  	p1 =	slt.u32 s9, $0xF7A;
	s5 =	simm.s32 @!p2 $0x0  }
0x1d: {  	s5 =	simm.s32 @p1 $0x1;
	p0 =	seq.s32 s7, s2  }
0x1e: {  	s7 =	smul.u32 @!p0 $0xF7A, s2;
	p2 =	seq.s32 @!p0 s5, $0x0  }
0x1f: {  	s9 =	smul.u32 $0xF7A, s1;
	s8 =	simm.s32 @!p0 $0x1BF5;
	p2 =	por !p2, p0  }
0x20: {  	[sflag:s8] =	ssyncset.s32 @!p0 $0xFFFFF086;
	s6 =	sadd.s32 @!p0 s3, s7;
	s7 =	simm.s32 @!p0 $0x108  }
0x21: {  	s3 =	sadd.s32 s3, s9;
	s6 =	sadd.s32 @!p0 $0x88, s6;
	s7 =	simm.s32 @p2 $0x1082  }
0x22: {  	[simem:s7], [sflag:s8] =	dma.local @!p0 [hbm:s6], $0xF7A  }
0x23: {  	s9 =	sor.u32 $0xD0000000, s2;
	s6 =	simm.s32 $0x108;
	_ =	swait.ge @!p0 [sflag:s8], $0x0  }
0x24: {  	s3 =	sadd.s32 $0x88, s3;
	s6 =	simm.s32 @!p1 $0x1082;
	[sflag:s4] =	ssyncset.s32 $0xFFFFF086  }
0x25: {  	[simem:s6], [sflag:s4] =	dma.local [hbm:s3], $0xF7A  }
0x26: {  	[smem:$0x3F8B] =	sst s1;
	(tag) =	ssettag s2;
	_ =	strace s9  }
0x27: {  	s1 =	sld [smem:$0x3F9B]  }
0x28: {  	s2 =	sld [smem:$0x3F9C]  }
0x29: {  	s4 =	sld [smem:$0x3F9E]  }
0x2a: {  	p0 =	seq.s32 s5, $0x0;
	s5 =	sld [smem:$0x3F9F]  }
0x2b: {  	s6 =	sld [smem:$0x3FA0]  }
0x2c: {  	s7 =	sld [smem:$0x3FA1]  }
0x2d: {  	s3 =	simm.s32 $0x108;
	s8 =	sld [smem:$0x3FA2]  }
0x2e: {  	s3 =	simm.s32 @!p0 $0x1082;
	s9 =	sld [smem:$0x3FA3]  }
0x2f: {  	lr =	sadd.s32 s0, s3;
	s0 =	sld [smem:$0x3F9A]  }
0x30: {  	s3 =	sld [smem:$0x3F9D]  }
0x31: {  	[smem:$0x3FA6] =	sst s10  }
0x32: {  	s10 =	sld [smem:$0x3FA4];
	_ =	sdelay $0x3  }
0x33: {  	p0 =	seq.s32 s10, $0x1;
	s10 =	sld [smem:$0x3FA6];
	_ =	sdelay $0x3  }
0x34: {  	[smem:$0x3FA6] =	sst s10  }
0x35: {  	s10 =	sld [smem:$0x3FA5];
	_ =	sdelay $0x3  }
0x36: {  	p1 =	seq.s32 s10, $0x1;
	s10 =	sld [smem:$0x3FA6];
	_ =	sdelay $0x3  }
0x37: {  	[smem:$0x3FA6] =	sst s10  }
0x38: {  	s10 =	sld [smem:$0x3FA7]  }
0x39: {  	_ = 	snop;
	(pc) =	sbr.ind lr, $3  }
0x3a: {  	_ = 	snop  }
0x3b: {  	_ = 	snop  }
0x3c: {  	p2 =	seq.s32 s10, $0x1;
	s10 =	sld [smem:$0x3FA6]  }
0x3d: {  	_ =	shalt  }
0x3e: {  	_ =	shalt  }
0x3f: {  	_ =	shalt  }
0x40: {  	_ =	shalt  }
0x41: {  	_ =	shalt  }
0x42: {  	_ =	shalt  }
0x43: {  	_ =	shalt  }
0x44: {  	_ =	shalt  }
0x45: {  	_ =	shalt  }
0x46: {  	_ =	shalt  }
0x47: {  	_ =	shalt  }
0x48: {  	_ =	shalt  }
0x49: {  	_ =	shalt  }
0x4a: {  	_ =	shalt  }
0x4b: {  	_ =	shalt  }
0x4c: {  	_ =	shalt  }
0x4d: {  	_ =	shalt  }
0x4e: {  	_ =	shalt  }
0x4f: {  	_ =	shalt  }
0x50: {  	_ =	shalt  }
0x51: {  	_ =	shalt  }
0x52: {  	_ =	shalt  }
0x53: {  	_ =	shalt  }
0x54: {  	_ =	shalt  }
0x55: {  	_ =	shalt  }
0x56: {  	_ =	shalt  }
0x57: {  	_ =	shalt  }
0x58: {  	_ =	shalt  }
0x59: {  	_ =	shalt  }
0x5a: {  	_ =	shalt  }
0x5b: {  	_ =	shalt  }
0x5c: {  	_ =	shalt  }
0x5d: {  	_ =	shalt  }
0x5e: {  	_ =	shalt  }
0x5f: {  	_ =	shalt  }
0x60: {  	_ =	shalt  }
0x61: {  	_ =	shalt  }
0x62: {  	_ =	shalt  }
0x63: {  	_ =	shalt  }
0x64: {  	_ =	shalt  }
0x65: {  	_ =	shalt  }
0x66: {  	_ =	shalt  }
0x67: {  	_ =	shalt  }
0x68: {  	_ =	shalt  }
0x69: {  	_ =	shalt  }
0x6a: {  	_ =	shalt  }
0x6b: {  	_ =	shalt  }
0x6c: {  	_ =	shalt  }
0x6d: {  	_ =	shalt  }
0x6e: {  	_ =	shalt  }
0x6f: {  	_ =	shalt  }
0x70: {  	_ =	shalt  }
0x71: {  	_ =	shalt  }
0x72: {  	_ =	shalt  }
0x73: {  	_ =	shalt  }
0x74: {  	_ =	shalt  }
0x75: {  	_ =	shalt  }
0x76: {  	_ =	shalt  }
0x77: {  	_ =	shalt  }
0x78: {  	_ =	shalt  }
0x79: {  	_ =	shalt  }
0x7a: {  	_ =	shalt  }
0x7b: {  	_ =	shalt  }
0x7c: {  	_ =	shalt  }
0x7d: {  	_ =	shalt  }
0x7e: {  	_ =	shalt  }
0x7f: {  	_ =	shalt  }
0x80: {  	_ =	shalt  }
0x81: {  	_ =	shalt  }
0x82: {  	_ =	shalt  }
0x83: {  	_ =	shalt  }
0x84: {  	_ =	shalt  }
0x85: {  	_ =	shalt  }
0x86: {  	_ =	shalt  }
0x87: {  	_ =	shalt  }
.Lfunc_end0:
.L_simem_size_0:
called_computation_lowered:
.L_overlay_start_0:
0x88: {  	s0 =	sld [smem:$0x3FD9]  }
0x89: {  	s1 =	sld [smem:$0x3FFE];
	_ =	sdelay $0x3  }
0x8a: {  	s0 =	sadd.s32 s1, s0  }
0x8b: {  	[smem:$0x3FB2] =	sst s0  }
0x8c: {  	_ = 	snop  }
0x8d: {  	s0 =	sld [smem:$0x3FD0];
	(tm) =	ssettm $0x1  }
0x8e: {  	s16 =	sld [smem:$0x3FFB];
	_ =	sdelay $0x3  }
0x8f: {  	_ =	strace s16  }
0x90: {  	s1 =	sld [smem:$0x3FFC];
	_ =	sdelay $0x3  }
0x91: {  	_ =	strace s1  }
0x92: {  	s1 =	sld [smem:$0x3FFD];
	_ =	sdelay $0x3  }
0x93: {  	_ =	strace s1  }
0x94: {  	_ =	strace $0x8FFFFFFF  }
0x95: {  	s17 =	sld [smem:$0x3FDB];
	_ =	sdelay $0x1  }
0x96: {  	s2 =	simm.s32 $_scs_section_size  }
0x97: {  	s3 =	simm.s32 $_size__tile_overlayer_lowered;
	s4 =	simm.s32 $_tile_overlayer_lowered  }
0x98: {  	s20 =	simm.s32 $0x1BFF;
	s19 =	sshll.u32 s4, $0x1;
	s1 =	sadd.s32 s2, s17  }
0x99: {  	s5 =	simm.s32 $0x0;
	s18 =	sshll.u32 s3, $0x1;
	s3 =	sadd.s32 s19, s1  }
0x9a: {  	[timem:s5], [sflag:s20] =	dma.local [hbm:s3], s18  }
0x9b: {  	_ =	swait.ge [sflag:s20], s18  }
0x9c: {  	s2 =	ssub.s32 $0x0, s18;
	[sflag:s20] =	ssyncset.done $0x0  }
0x9d: {  	[sflag:s20] =	ssyncadd.s32 s2;
	_ =	sdelay $0x1  }
0x9e: {  	s21 =	simm.s32 $0x1B8B  }
0x9f: {  	_ =	swait.ge [sflag:s21], $0x1  }
0xa0: {  	[sflag:s21] =	ssyncset.done $0x0  }
0xa1: {  	s23 =	simm.s32 $0x1B8E;
	s22 =	sld [smem:$0x3FFE];
	[sflag:s21] =	ssyncadd.s32 $0xFFFFFFFF  }
0xa2: {  	s24 =	simm.s32 $execute0_lowered;
	[smem:$0x3FD2] =	sst s23  }
0xa3: {  	s3 =	sshll.u32 s24, $0x1;
	_ =	strace $0x80000046;
	[dreg:$0x1] =	wrdreg $0xFFFFFFFF  }
0xa4: {  	s25 =	simm.s32 $_size_execute0_lowered;
	s1 =	sadd.s32 s1, s3;
	[dreg:$0x0] =	wrdreg $0x0  }
0xa5: {  	s3 =	sshll.u32 s25, $0x1;
	[dreg:$0x2] =	wrdreg s1  }
0xa6: {  	[dreg:$0x3] =	wrdreg s3  }
0xa7: {  	[dreg:$0x4] =	wrdreg $0xC0  }
0xa8: {  	_ =	task [dreg:s5], $0x5FFFF  }
0xa9: {  	[dreg:$0x1] =	wrdreg $0xFFFFFFFF  }
0xaa: {  	[dreg:$0x0] =	wrdreg $0x60  }
0xab: {  	[dreg:$0x2] =	wrdreg s0  }
0xac: {  	[dreg:$0x3] =	wrdreg s22  }
0xad: {  	[dreg:$0x4] =	wrdreg $0x9  }
0xae: {  	_ =	task.clear_ibuf [dreg:s5], $0x5FFFF;
	_ =	strace $0x90000046  }
0xaf: {  	s26 =	simm.s32 $0x9;
	_ =	strace $0x80000048  }
0xb0: {  	_ =	swait.ge [sflag:s26], $0x1  }
0xb1: {  	[sflag:s26] =	ssyncadd.s32 $0xFFFFFFFF  }
0xb2: {  	_ =	strace $0x90000048  }
0xb3: {  	_ =	sfence  }
0xb4: {  	s28 =	sld [smem:$0x0];
	_ =	sdelay $0x1  }
0xb5: {  	s29 =	srdreg.scid  }
0xb6: {  	s30 =	sshll.u32 s29, $0xD;
	s31 =	sshrl.u32 s29, $0x2  }
0xb7: {  	s2 =	sand.u32 $0x4000, s30;
	s1 =	sand.u32 $0x1, s29;
	s0 =	sadd.s32 s31, s28  }
0xb8: {  	s1 =	sor.u32 s2, s1;
	s0 =	sshll.u32 s0, $0x11  }
0xb9: {  	s0 =	sor.u32 s0, s1  }
0xba: {  	s0 =	sadd.s32 $0x8F2B, s0  }
0xbb: {  	[sflag:s0] =	ssyncadd.remote.s32 $0x1  }
0xbc: {  	_ =	sfence.sel $0xFFFF  }
0xbd: {  	[dreg:$0x0] =	wrdreg $0xFFFFFFFF;
	(pc) =	sbr.abs _section_cstart, $3  }
0xbe: {  	[dreg:$0x1] =	wrdreg $0xFFFFFFFF  }
0xbf: {  	_ =	task.clear_ibuf [dreg:s5], $0x2FFFF;
	_ =	strace $0x9FFFFFFF  }
0xc0: {  	(tm) =	ssettm $0x7FFFFFFF  }
0xc1: {  	_ =	shalt  }
tec
execute0_lowered:
.L_overlay_start_1:
0x0: {  	(tag) =	ssettag $0x1  }
0x1: {  	s1 =	rddreg [dreg:$0x0]  }
0x2: {  	s7 =	rddreg [dreg:$0x1]  }
0x3: {  	s0 =	rddreg [dreg:$0x2]  }
0x4: {  	s3 =	stileid.u32;
	_ =	strace $0x80000047;
	s4 =	simm.s32 $0x3E  }
0x5: {  	p0 =	sne.s32 s3, $0x0;
	[sflag:s4] =	ssyncpa.u1 $0x0  }
0x6: {  	s30 =	smin.u32 s3, $0x9;
	s2 =	simm.s32 @!p0 $0x1C3E;
	s5 =	simm.s32 @!p0 $0x0  }
0x7: {  	[spmem:s5], [sflag:s2] =	dma.local @!p0 [hbm:s1], $0x10  }
0x8: {  	s2 =	sadd.s32 s3, s30  }
0x9: {  	p1 =	slt.u32 s3, $0x9;
	s3 =	simm.s32 $0x320;
	s2 =	smul.u32 $0x190, s2  }
0xa: {  	s3 =	simm.s32 @!p1 $0x190  }
0xb: {  	s3 =	sadd.s32 s3, s2  }
0xc: {  	s3 =	smin.u32 s3, $0x2710  }
0xd: {  	s8 =	ssub.s32 s3, s2  }
0xe: {  	p1 =	sgt.s32 s8, $0x0  }
0xf: {  	s8 =	simm.s32 @!p1 $0x0  }
0x10: {  	s6 =	sand.u32 $0xFFF0, s8  }
0x11: {  	s5 =	simm.s32 @!p0 $0x3E;
	s6 =	sshrl.u32 s6, $0x4  }
0x12: {  	_ =	swait.ge @!p0 [sflag:s5], $0x10;
	s31 =	smul.u32 $0xA3E, s6  }
0x13: {  	[sflag:s5] =	ssyncset.done @!p0 $0x0  }
0x14: {  	[sflag:s5] =	ssyncadd.s32 @!p0 $0xFFFFFFF0;
	s9 =	sshrl.u32 s31, $0x10  }
0x15: {  	s11 =	simm.s32 $0x0;
	[bflag:$0x0] =	sbarrier.arrive $0xFFFF;
	s10 =	smul.u32 $0x190, s9  }
.Ltmp0:
0x16: {  	[sflag:s4] =	ssyncpa.u1 $0x1;
	s4 =	simm.s32 $0x1;
	(pc) =	sbr.rel .LBB2_1-.Ltmp0, $4  }
0x17: {  	s5 =	sadd.s32 $0x4600, s7;
	s7 =	sadd.s32 $0x41C00, s7;
	[sflag:s4] =	ssyncpa.u1 $0x0  }
0x18: {  	s6 =	simm.s32 $0x2;
	p1 =	sne.s32 s8, s10;
	s8 =	simm.s32 $0x1  }
0x19: {  	(ifvalue) =	ssetifvalue $0x80;
	[sflag:s6] =	ssyncpa.u1 $0x0;
	s8 =	simm.s32 @!p1 $0x0  }
0x1a: {  	vm0 =	vmmov $0xffff;
	s10 =	smov.u32 s2;
	s8 =	sadd.s32 s9, s8;
	s9 =	simm.s32 $0x0  }
.LBB2_5:
0x1b: {  	p2 =	sne.s32 s11, s8  }
.Ltmp1:
0x1c: {  	_ = 	snop;
	(pc) =	sbr.rel @!p2 .LBB2_6-.Ltmp1, $4  }
0x1d: {  	_ = 	snop  }
0x1e: {  	s12 =	sadd.s32 $0x190, s10  }
0x1f: {  	s10 =	smov.u32 s2;
	s13 =	sadd.s32 $0x1, s11;
	p1 =	slt.s32 s12, s3  }
0x20: {  	s11 =	smov.u32 s13;
	s10 =	smov.u32 @p1 s12  }
.LBB2_1:
0x21: {  	p1 =	sge.u32 s11, s8  }
0x22: {  	s12 =	sxor.u32 @!p1 $0xFFFFFFFF, s11  }
0x23: {  	s12 =	sand.u32 @!p1 $0x1, s12  }
0x24: {  	s12 =	smul.u32 @!p1 $0x190, s12  }
0x25: {  	s13 =	sshrl.u32 @!p1 s10, $0x3  }
0x26: {  	s16 =	sand.u32 @!p1 $0x7, s10;
	s14 =	sadd.s32 @!p1 s5, s13;
	s15 =	sor.u32 @!p1 $0x8, s12  }
0x27: {  	[tilespmem:s15], [sflag:$0x2] =	stream.linear.gather @!p1 [hbm4b:s14+s16], $0x190, $0x38;
	[tilespmem:$0x648] =	vst v63  }
0x28: {  	s13 =	sadd.s32 @!p1 s7, s13;
	s12 =	sadd.s32 @!p1 $0x328, s12  }
0x29: {  	[tilespmem:s12], [sflag:$0x2] =	stream.linear.gather @!p1 [hbm4b:s13+s16], $0x190, $0x38;
	[tilespmem:$0x648] =	vst v63  }
0x2a: {  	p1 =	seq.s32 s11, $0x0  }
.Ltmp2:
0x2b: {  	_ = 	snop;
	(pc) =	sbr.rel @p1 .LBB2_5-.Ltmp2, $1  }
0x2c: {  	_ =	sdelay $0x3  }
0x2d: {  	s12 =	sand.u32 $0x1, s11  }
0x2e: {  	_ =	swait.ge [sflag:s6], $0x320;
	p1 =	seq.s32 s12, $0x1;
	s12 =	simm.s32 $0x190  }
0x2f: {  	[sflag:s6] =	ssyncset.done $0x0;
	s12 =	simm.s32 @!p1 $0x0  }
0x30: {  	[sflag:s6] =	ssyncadd.s32 $0xFFFFFCE0;
	s14 =	sor.u32 $0x8, s12  }
0x31: {  	v0 =	vld.msk [tilespmem:s14+$0x0 ss:$0x1], $0xffff;
	_ =	sdelay $0x4  }
0x32: {  	v0 =	vmin.u32 v0, $0x80;
	_ =	sdelay $0x3  }
0x33: {  	s13 =	simm.s32 $0x0;
	s12 =	sadd.s32 $0x328, s12;
	s14 =	sadd.s32 $0x10, s14  }
0x34: {  	[spmem:s9] =	stream.indirect_vreg.scatter.add.s32 [tilespmem:s12], [sflag:$0x1], $0x1, v0, vm0, $0x4038;
	[tilespmem:$0x648] =	vst v63  }
.LBB2_3:
0x35: {  	v0 =	vld.msk [tilespmem:s14+$0x0 ss:$0x1], $0xffff;
	s13 =	sadd.s32 $0x10, s13  }
0x36: {  	p1 =	slt.u32 s13, $0x180;
	_ =	sdelay $0x4  }
0x37: {  	v0 =	vmin.u32 v0, $0x80  }
.Ltmp3:
0x38: {  	(pc) =	sbr.rel @p1 .LBB2_3-.Ltmp3, $3  }
0x39: {  	_ =	sdelay $0x1  }
0x3a: {  	s14 =	sadd.s32 $0x10, s14;
	s12 =	sadd.s32 $0x10, s12  }
0x3b: {  	[spmem:s9] =	stream.indirect_vreg.scatter.add.s32 [tilespmem:s12], [sflag:$0x1], $0x1, v0, vm0, $0x4038;
	[tilespmem:$0x648] =	vst v63  }
.Ltmp4:
0x3c: {  	(pc) =	sbr.rel .LBB2_5-.Ltmp4, $4  }
0x3d: {  	_ = 	snop  }
0x3e: {  	_ =	swait.ge [sflag:s4], $0x190  }
0x3f: {  	[sflag:s4] =	ssyncset.done $0x0  }
0x40: {  	[sflag:s4] =	ssyncadd.s32 $0xFFFFFE70  }
.LBB2_6:
0x41: {  	_ =	sfence.sel $0x180000  }
0x42: {  	s2 =	simm.s32 $0x2;
	[bflag:$0x0] =	sbarrier.arrive $0xFFFF  }
0x43: {  	s30 =	simm.s32 $0x1;
	[sflag:s2] =	ssyncpa.u1 $0x1  }
0x44: {  	[sflag:s30] =	ssyncpa.u1 $0x1  }
0x45: {  	_ =	sfence.stream.spmem  }
0x46: {  	s31 =	simm.s32 $0x3D;
	[bflag:$0x0] =	sbarrier.arrive $0xFFFF  }
0x47: {  	s2 =	simm.s32 @p0 $0x3D;
	[sflag:s31] =	ssyncpa.u1 $0x0  }
0x48: {  	[sflag:s2] =	ssyncpa.u1 @p0 $0x1  }
0x49: {  	[bflag:$0x0] =	sbarrier.arrive @p0 $0xFFFF  }
0x4a: {  	_ =	strace @p0 $0x90000047  }
0x4b: {  	s3 =	simm.s32 @!p0 $0x1C3D;
	s2 =	simm.s32 @!p0 $0x0;
	[bflag:$0x2] =	sbarrier.arrive @p0 $0xFFFF  }
0x4c: {  	[hbm:s1], [sflag:s3] =	dma.local @!p0 [spmem:s2], $0x10  }
0x4d: {  	s1 =	simm.s32 @!p0 $0x3D  }
0x4e: {  	_ =	swait.ge @!p0 [sflag:s1], $0x10  }
0x4f: {  	[sflag:s1] =	ssyncset.done @!p0 $0x0  }
0x50: {  	[sflag:s1] =	ssyncadd.s32 @!p0 $0xFFFFFFF0  }
0x51: {  	[sflag:s1] =	ssyncpa.u1 @!p0 $0x1  }
0x52: {  	[bflag:$0x0] =	sbarrier.arrive @!p0 $0xFFFF  }
0x53: {  	_ =	strace @!p0 $0x90000047  }
0x54: {  	s0 =	sadd.s32 @!p0 $0x100000, s0;
	[bflag:$0x2] =	sbarrier.arrive @!p0 $0xFFFF  }
0x55: {  	[sflag:s0] =	ssyncadd.tile.s32 @!p0 $0x1;
	_ =	shalt  }
.Lfunc_end2:
_tile_overlayer_lowered:
.L_overlay_start_2:
0x56: {  	(tag) =	ssettag $0x2  }
0x57: {  	s0 =	rddreg [dreg:$0x0];
	s2 =	stileid.u32  }
0x58: {  	s1 =	rddreg [dreg:$0x1];
	p0 =	sne.s32 s2, $0x0  }
0x59: {  	s3 =	rddreg [dreg:$0x2];
	[bflag:$0x3] =	sbarrier.arrive $0xFFFF;
	s2 =	simm.s32 @!p0 $0x1C01  }
0x5a: {  	[timem:s3], [sflag:s2] =	dma.local @!p0 [hbm:s0], s1  }
0x5b: {  	s0 =	simm.s32 @!p0 $0x1  }
0x5c: {  	_ =	swait.ge @!p0 [sflag:s0], s1  }
0x5d: {  	s1 =	ssub.s32 @!p0 $0x0, s1;
	[sflag:s0] =	ssyncset.done @!p0 $0x0  }
0x5e: {  	[sflag:s0] =	ssyncadd.s32 @!p0 s1  }
0x5f: {  	[bflag:$0x3] =	sbarrier.arrive $0xFFFF  }
0x60: {  	_ =	shalt  }

</sc_bundles>
